<compile_context>
chip_gen: v7x
topology: tpu7x:2x2x1
jax: 0.10.2.dev20260603
libtpu: 0.0.44.dev20260713+nightly
codegen_flags: <defaults>
</compile_context>

<pallas_src>
import functools

import jax
import jax.numpy as jnp
from jax import lax
from jax.experimental import pallas as pl
from jax.experimental.pallas import tpu as pltpu
from jax.experimental.pallas import tpu_sc as plsc

N = 10000
E = 320000
H = 128
PW = 16
AW = H + PW

NC = 2
NS = 16
NW = NC * NS
K = 64
NBLK = 158
EPW = K * NBLK
EPAD = NW * EPW

NPAD = 10240
ROWS_PER_SUB = NPAD // NS
ZCH = K

EBLK = 2048
NBLK_TC = 1000


def _silu(v):
    return v * jax.nn.sigmoid(v)


def _pre_body(x_ref, posp_ref, w1a_ref, w1b_ref, b1_ref, a_ref, b_ref):
    xb = x_ref[...]
    pp = posp_ref[...]
    a_ref[:, :H] = xb @ w1a_ref[...] + b1_ref[...]
    a_ref[:, H:] = pp
    b_ref[:, :H] = xb @ w1b_ref[...]
    b_ref[:, H:] = -pp


def _build_tables(x, posp, w1a, w1b, b1):
    return pl.pallas_call(
        _pre_body,
        grid=(N // NBLK_TC,),
        in_specs=[
            pl.BlockSpec((NBLK_TC, H), lambda i: (i, 0)),
            pl.BlockSpec((NBLK_TC, PW), lambda i: (i, 0)),
            pl.BlockSpec((H, H), lambda i: (0, 0)),
            pl.BlockSpec((H, H), lambda i: (0, 0)),
            pl.BlockSpec((1, H), lambda i: (0, 0)),
        ],
        out_specs=[
            pl.BlockSpec((NBLK_TC, AW), lambda i: (i, 0)),
            pl.BlockSpec((NBLK_TC, AW), lambda i: (i, 0)),
        ],
        out_shape=[
            jax.ShapeDtypeStruct((N, AW), jnp.float32),
            jax.ShapeDtypeStruct((N, AW), jnp.float32),
        ],
    )(x, posp, w1a, w1b, b1)


_MESH = plsc.VectorSubcoreMesh(
    core_axis_name="c", subcore_axis_name="s", num_cores=NC, num_subcores=NS
)


@functools.partial(
    pl.kernel,
    out_type=[
        jax.ShapeDtypeStruct((EPAD, H), jnp.float32),
        jax.ShapeDtypeStruct((EPAD, PW), jnp.float32),
    ],
    mesh=_MESH,
    scratch_types=[
        pltpu.VMEM((K,), jnp.int32),
        pltpu.VMEM((K,), jnp.int32),
        pltpu.VMEM((K,), jnp.int32),
        pltpu.VMEM((K,), jnp.int32),
        pltpu.VMEM((K, AW), jnp.float32),
        pltpu.VMEM((K, AW), jnp.float32),
        pltpu.VMEM((K, AW), jnp.float32),
        pltpu.VMEM((K, AW), jnp.float32),
        pltpu.VMEM((K, H), jnp.float32),
        pltpu.VMEM((K, H), jnp.float32),
        pltpu.VMEM((K, PW), jnp.float32),
        pltpu.VMEM((K, PW), jnp.float32),
        pltpu.SemaphoreType.DMA,
        pltpu.SemaphoreType.DMA,
        pltpu.SemaphoreType.DMA,
        pltpu.SemaphoreType.DMA,
        pltpu.SemaphoreType.DMA,
        pltpu.SemaphoreType.DMA,
    ],
    compiler_params=pltpu.CompilerParams(use_tc_tiling_on_sc=False),
)
def _sc_gather(a_hbm, b_hbm, send_hbm, rec_hbm, g_hbm, d_hbm,
               s0, s1, r0, r1, ab0, ab1, bb0, bb1, gb0, gb1, db0, db1,
               si0, si1, sg0, sg1, sw0, sw1):
    cid = lax.axis_index("c")
    sid = lax.axis_index("s")
    wid = sid * NC + cid
    base0 = wid * EPW
    nblk = NBLK
    sidx = [s0, s1]
    ridx = [r0, r1]
    abuf = [ab0, ab1]
    bbuf = [bb0, bb1]
    gbuf = [gb0, gb1]
    dbuf = [db0, db1]
    isem = [si0, si1]
    gsem = [sg0, sg1]
    wsem = [sw0, sw1]

    def fire_idx(b, blk):
        base = base0 + blk * K
        pltpu.async_copy(send_hbm.at[pl.ds(base, K)], sidx[b], isem[b])
        pltpu.async_copy(rec_hbm.at[pl.ds(base, K)], ridx[b], isem[b])

    def wait_idx(b):
        pltpu.make_async_copy(send_hbm.at[pl.ds(0, K)], sidx[b], isem[b]).wait()
        pltpu.make_async_copy(rec_hbm.at[pl.ds(0, K)], ridx[b], isem[b]).wait()

    def fire_gather(b):
        pltpu.async_copy(a_hbm.at[sidx[b]], abuf[b], gsem[b])
        pltpu.async_copy(b_hbm.at[ridx[b]], bbuf[b], gsem[b])

    def wait_gather(b):
        pltpu.make_async_copy(a_hbm.at[sidx[b]], abuf[b], gsem[b]).wait()
        pltpu.make_async_copy(b_hbm.at[ridx[b]], bbuf[b], gsem[b]).wait()

    def fire_write(b, blk):
        base = base0 + blk * K
        pltpu.async_copy(gbuf[b], g_hbm.at[pl.ds(base, K)], wsem[b])
        pltpu.async_copy(dbuf[b], d_hbm.at[pl.ds(base, K)], wsem[b])

    def wait_write(b):
        pltpu.make_async_copy(gbuf[b], g_hbm.at[pl.ds(0, K)], wsem[b]).wait()
        pltpu.make_async_copy(dbuf[b], d_hbm.at[pl.ds(0, K)], wsem[b]).wait()

    def compute(b):
        ab = abuf[b]
        bb = bbuf[b]
        gb = gbuf[b]
        db = dbuf[b]

        @plsc.parallel_loop(0, K, unroll=2)
        def row(j):
            for q in range(H // 16):
                sl = pl.ds(q * 16, 16)
                gb[j, sl] = ab[j, sl] + bb[j, sl]
            db[j, :] = ab[j, pl.ds(H, PW)] + bb[j, pl.ds(H, PW)]

    fire_idx(0, 0)
    wait_idx(0)
    fire_gather(0)
    fire_idx(1, 1)

    def pair(ii, carry):
        for b in range(2):
            i = ii * 2 + b
            nb = 1 - b
            wait_gather(b)

            @pl.when(i + 2 < nblk)
            def _():
                fire_idx(b, i + 2)

            @pl.when(i + 1 < nblk)
            def _():
                wait_idx(nb)
                fire_gather(nb)

            @pl.when(i >= 2)
            def _():
                wait_write(b)

            compute(b)
            fire_write(b, i)
        return carry

    lax.fori_loop(0, nblk // 2, pair, 0)
    wait_write(0)
    wait_write(1)


def _edge_body(g_ref, d_ref, w2_ref, wd_ref, b2_ref, m_ref):
    d = d_ref[...]
    dist = jnp.sqrt(jnp.sum(d * d, axis=1, keepdims=True))
    h = _silu(g_ref[...] + dist * wd_ref[...])
    m_ref[...] = _silu(h @ w2_ref[...] + b2_ref[...])


def _edge_mlp(g, dmat, w2, w1d, b2):
    return pl.pallas_call(
        _edge_body,
        grid=(EPAD // EBLK,),
        in_specs=[
            pl.BlockSpec((EBLK, H), lambda i: (i, 0)),
            pl.BlockSpec((EBLK, PW), lambda i: (i, 0)),
            pl.BlockSpec((H, H), lambda i: (0, 0)),
            pl.BlockSpec((1, H), lambda i: (0, 0)),
            pl.BlockSpec((1, H), lambda i: (0, 0)),
        ],
        out_specs=pl.BlockSpec((EBLK, H), lambda i: (i, 0)),
        out_shape=jax.ShapeDtypeStruct((EPAD, H), jnp.float32),
    )(g, dmat, w2, w1d, b2)


@functools.partial(
    pl.kernel,
    out_type=jax.ShapeDtypeStruct((NC, NPAD, H), jnp.float32),
    mesh=_MESH,
    scratch_types=[
        pltpu.VMEM((K,), jnp.int32),
        pltpu.VMEM((K,), jnp.int32),
        pltpu.VMEM((K, H), jnp.float32),
        pltpu.VMEM((K, H), jnp.float32),
        pltpu.VMEM_SHARED((NPAD, H), jnp.float32),
        pltpu.SemaphoreType.DMA,
        pltpu.SemaphoreType.DMA,
        pltpu.SemaphoreType.DMA,
        pltpu.SemaphoreType.DMA,
    ],
    compiler_params=pltpu.CompilerParams(use_tc_tiling_on_sc=False),
)
def _sc_scatter(m_hbm, rec_hbm, out_hbm, r0, r1, mb0, mb1, aggr,
                sl0, sl1, sa0, sa1):
    cid = lax.axis_index("c")
    sid = lax.axis_index("s")
    wid = sid * NC + cid
    base0 = wid * EPW
    ridx = [r0, r1]
    mbuf = [mb0, mb1]
    lsem = [sl0, sl1]
    asem = [sa0, sa1]

    def zrow(j, c2):
        for q in range(H // 16):
            mb0[j, pl.ds(q * 16, 16)] = jnp.zeros((16,), jnp.float32)
        return c2

    lax.fori_loop(0, ZCH, zrow, 0)

    def zchunk(t, c2):
        pltpu.sync_copy(mb0, aggr.at[pl.ds(sid * ROWS_PER_SUB + t * ZCH, ZCH)])
        return c2

    lax.fori_loop(0, ROWS_PER_SUB // ZCH, zchunk, 0)
    plsc.subcore_barrier()

    def fire_load(b, blk):
        base = base0 + blk * K
        pltpu.async_copy(rec_hbm.at[pl.ds(base, K)], ridx[b], lsem[b])
        pltpu.async_copy(m_hbm.at[pl.ds(base, K)], mbuf[b], lsem[b])

    def wait_load(b):
        pltpu.make_async_copy(rec_hbm.at[pl.ds(0, K)], ridx[b], lsem[b]).wait()
        pltpu.make_async_copy(m_hbm.at[pl.ds(0, K)], mbuf[b], lsem[b]).wait()

    def fire_add(b):
        pltpu.async_copy(mbuf[b], aggr.at[ridx[b]], asem[b], add=True)

    def wait_add(b):
        pltpu.make_async_copy(mbuf[b], aggr.at[ridx[b]], asem[b]).wait()

    fire_load(0, 0)
    fire_load(1, 1)

    def pair(ii, carry):
        for b in range(2):
            i = ii * 2 + b
            wait_load(b)
            fire_add(b)

            @pl.when(i + 2 < NBLK)
            def _():
                wait_add(b)
                fire_load(b, i + 2)

        return carry

    lax.fori_loop(0, NBLK // 2, pair, 0)
    wait_add(0)
    wait_add(1)
    plsc.subcore_barrier()

    def dchunk(t, c2):
        row0 = sid * ROWS_PER_SUB + t * ZCH
        pltpu.sync_copy(aggr.at[pl.ds(row0, ZCH)], mb0)
        pltpu.sync_copy(mb0, out_hbm.at[cid, pl.ds(row0, ZCH)])
        return c2

    lax.fori_loop(0, ROWS_PER_SUB // ZCH, dchunk, 0)


def _fin_body(x_ref, p0_ref, p1_ref, u1a_ref, u1b_ref, ub1_ref, u2_ref,
              ub2_ref, out_ref):
    aggr = p0_ref[0] + p1_ref[0]
    t = x_ref[...] @ u1a_ref[...] + aggr @ u1b_ref[...] + ub1_ref[...]
    out_ref[...] = _silu(t) @ u2_ref[...] + ub2_ref[...]


def _final_mlp(x, partials, u1a, u1b, ub1, u2, ub2):
    return pl.pallas_call(
        _fin_body,
        grid=(N // NBLK_TC,),
        in_specs=[
            pl.BlockSpec((NBLK_TC, H), lambda i: (i, 0)),
            pl.BlockSpec((1, NBLK_TC, H), lambda i: (0, i, 0)),
            pl.BlockSpec((1, NBLK_TC, H), lambda i: (1, i, 0)),
            pl.BlockSpec((H, H), lambda i: (0, 0)),
            pl.BlockSpec((H, H), lambda i: (0, 0)),
            pl.BlockSpec((1, H), lambda i: (0, 0)),
            pl.BlockSpec((H, H), lambda i: (0, 0)),
            pl.BlockSpec((1, H), lambda i: (0, 0)),
        ],
        out_specs=pl.BlockSpec((NBLK_TC, H), lambda i: (i, 0)),
        out_shape=jax.ShapeDtypeStruct((N, H), jnp.float32),
    )(x, partials, partials, u1a, u1b, ub1, u2, ub2)


def kernel(x, pos, edge_index, W1, b1, W2, b2, U1, ub1, U2, ub2):
    send = jnp.pad(edge_index[0], (0, EPAD - E))
    rec_g = jnp.pad(edge_index[1], (0, EPAD - E))
    rec_s = jnp.pad(edge_index[1], (0, EPAD - E), constant_values=N)
    posp = jnp.pad(pos, ((0, 0), (0, PW - 3)))
    w1a = W1[:H]
    w1b = W1[H:2 * H]
    w1d = W1[2 * H:2 * H + 1]

    a_tab, b_tab = _build_tables(x, posp, w1a, w1b, b1[None, :])
    g, dmat = _sc_gather(a_tab, b_tab, send, rec_g)
    m = _edge_mlp(g, dmat, W2, w1d, b2[None, :])
    partials = _sc_scatter(m, rec_s)
    return _final_mlp(x, partials, U1[:H], U1[H:], ub1[None, :], U2,
                      ub2[None, :])

# --- scband reference (transcript-rebuilt; emitter-appended) ---
"""Pipeline reference for scband-mpnnlayer-62088047231703 (READ-ONLY COPY).

The authoritative reference and input builder live on the scoring server;
editing this copy changes nothing except your own understanding.
"""

import jax, jax.numpy as jnp
import numpy as np

N = 10000
E = 320000
H = 128

def _silu(v):
    return v * jax.nn.sigmoid(v)

def setup_inputs(seed: int = 0) -> dict:
    key = jax.random.key(seed)
    ks = jax.random.split(key, 8)
    x = jax.random.normal(ks[0], (N, H), dtype=jnp.float32)
    pos = jax.random.normal(ks[1], (N, 3), dtype=jnp.float32)
    edge_index = jax.random.randint(ks[2], (2, E), 0, N)
    scale = 0.05
    W1 = jax.random.normal(ks[3], (2 * H + 1, H), dtype=jnp.float32) * scale
    b1 = jnp.zeros((H,), dtype=jnp.float32)
    W2 = jax.random.normal(ks[4], (H, H), dtype=jnp.float32) * scale
    b2 = jnp.zeros((H,), dtype=jnp.float32)
    U1 = jax.random.normal(ks[5], (2 * H, H), dtype=jnp.float32) * scale
    ub1 = jnp.zeros((H,), dtype=jnp.float32)
    U2 = jax.random.normal(ks[6], (H, H), dtype=jnp.float32) * scale
    ub2 = jnp.zeros((H,), dtype=jnp.float32)
    return {"x": x, "pos": pos, "edge_index": edge_index, "W1": W1, "b1": b1, "W2": W2, "b2": b2, "U1": U1, "ub1": ub1, "U2": U2, "ub2": ub2}

def reference(x, pos, edge_index, W1, b1, W2, b2, U1, ub1, U2, ub2):
    send = edge_index[0]
    rec = edge_index[1]
    # not reduced: concat sender and receiver states
    state = jnp.concatenate([x[send], x[rec]], axis=1)
    # include_dist: euclidean distance between endpoint positions
    dist = jnp.linalg.norm(pos[send] - pos[rec], axis=1)[:, None]
    state = jnp.concatenate([state, dist], axis=1)
    # message_mlp: Linear -> SiLU -> Linear -> SiLU
    h = _silu(state @ W1 + b1)
    message = _silu(h @ W2 + b2)
    # scatter_add over destination nodes
    aggr = jax.ops.segment_sum(message, rec, num_segments=x.shape[0])
    # update_mlp: Linear -> SiLU -> Linear
    upd_in = jnp.concatenate([x, aggr], axis=1)
    update = _silu(upd_in @ U1 + ub1) @ U2 + ub2
    return update

if __name__ == "__main__":
    import jax
    _d = setup_inputs()
    print(jax.jit(kernel)(*tuple(_d.values())))

</pallas_src>

<mosaic_0001>
#map = affine_map<(d0, d1) -> (0, 0)>
#map1 = affine_map<(d0, d1) -> (0)>
#map2 = affine_map<(d0, d1) -> (0, 0, 0)>
module attributes {stable_mosaic.version = 14 : i64} {
  func.func @_sc_scatter(%arg0: i32, %arg1: i32, %arg2: memref<323584x128xf32, #tpu.memory_space<hbm>>, %arg3: memref<323584xi32, #tpu.memory_space<hbm>>, %arg4: memref<2x10240x128xf32, #tpu.memory_space<hbm>>, %arg5: memref<64xi32, #tpu.memory_space<vmem>>, %arg6: memref<64xi32, #tpu.memory_space<vmem>>, %arg7: memref<64x128xf32, #tpu.memory_space<vmem>>, %arg8: memref<64x128xf32, #tpu.memory_space<vmem>>, %arg9: memref<10240x128xf32, #tpu.memory_space<vmem_shared>>, %arg10: memref<!tpu.dma_semaphore, #tpu.memory_space<semaphore_mem>>, %arg11: memref<!tpu.dma_semaphore, #tpu.memory_space<semaphore_mem>>, %arg12: memref<!tpu.dma_semaphore, #tpu.memory_space<semaphore_mem>>, %arg13: memref<!tpu.dma_semaphore, #tpu.memory_space<semaphore_mem>>) attributes {dimension_semantics = [#tpu.dimension_semantics<core_parallel>, #tpu.dimension_semantics<subcore_parallel>], iteration_bounds = array<i64: 2, 16>, scalar_prefetch = 0 : i64, scratch_operands = 9 : i64, tpu.core_type = #tpu.core_type<sc_vector_subcore>, window_params = [{transform_indices = #map}, {transform_indices = #map1}, {transform_indices = #map2}]} {
    %mul3A = arith.constant 2 : i32
    %mul3A_0 = arith.muli %arg1, %mul3A : i32
    %add3A = arith.addi %mul3A_0, %arg0 : i32
    %mul3A_1 = arith.constant 10112 : i32
    %mul3A_2 = arith.muli %add3A, %mul3A_1 : i32
    %scan3A = arith.constant 0 : i32
    %scan3A_3 = arith.constant 0 : i32
    %scan3A_4 = arith.constant 64 : i32
    %scan3A_5 = arith.addi %scan3A_3, %scan3A_4 : i32
    %scan3A_6 = arith.constant 1 : i32
    scf.for %scan3A_47 = %scan3A_3 to %scan3A_5 step %scan3A_6  : i32 {
      %broadcast_in_dim3A = arith.constant 0.000000e+00 : f32
      %broadcast_in_dim3A_48 = vector.broadcast %broadcast_in_dim3A : f32 to vector<16xf32>
      %swap3A = arith.index_cast %scan3A_47 : i32 to index
      %swap3A_49 = arith.constant 0 : index
      %swap3A_50 = tpu.vector_load %arg7[%swap3A, %swap3A_49] {strides = array<i32>} : memref<64x128xf32, #tpu.memory_space<vmem>>, vector<1x16xf32>,
      %swap3A_51 = vector.shape_cast %swap3A_50 : vector<1x16xf32> to vector<16xf32>
      %swap3A_52 = vector.shape_cast %broadcast_in_dim3A_48 : vector<16xf32> to vector<1x16xf32>
      tpu.vector_store %arg7[%swap3A, %swap3A_49], %swap3A_52 {strides = array<i32>} : memref<64x128xf32, #tpu.memory_space<vmem>>, vector<1x16xf32>,
      %broadcast_in_dim3A_53 = arith.constant 0.000000e+00 : f32
      %broadcast_in_dim3A_54 = vector.broadcast %broadcast_in_dim3A_53 : f32 to vector<16xf32>
      %swap3A_55 = arith.index_cast %scan3A_47 : i32 to index
      %swap3A_56 = arith.constant 16 : index
      %swap3A_57 = tpu.vector_load %arg7[%swap3A_55, %swap3A_56] {strides = array<i32>} : memref<64x128xf32, #tpu.memory_space<vmem>>, vector<1x16xf32>,
      %swap3A_58 = vector.shape_cast %swap3A_57 : vector<1x16xf32> to vector<16xf32>
      %swap3A_59 = vector.shape_cast %broadcast_in_dim3A_54 : vector<16xf32> to vector<1x16xf32>
      tpu.vector_store %arg7[%swap3A_55, %swap3A_56], %swap3A_59 {strides = array<i32>} : memref<64x128xf32, #tpu.memory_space<vmem>>, vector<1x16xf32>,
      %broadcast_in_dim3A_60 = arith.constant 0.000000e+00 : f32
      %broadcast_in_dim3A_61 = vector.broadcast %broadcast_in_dim3A_60 : f32 to vector<16xf32>
      %swap3A_62 = arith.index_cast %scan3A_47 : i32 to index
      %swap3A_63 = arith.constant 32 : index
      %swap3A_64 = tpu.vector_load %arg7[%swap3A_62, %swap3A_63] {strides = array<i32>} : memref<64x128xf32, #tpu.memory_space<vmem>>, vector<1x16xf32>,
      %swap3A_65 = vector.shape_cast %swap3A_64 : vector<1x16xf32> to vector<16xf32>
      %swap3A_66 = vector.shape_cast %broadcast_in_dim3A_61 : vector<16xf32> to vector<1x16xf32>
      tpu.vector_store %arg7[%swap3A_62, %swap3A_63], %swap3A_66 {strides = array<i32>} : memref<64x128xf32, #tpu.memory_space<vmem>>, vector<1x16xf32>,
      %broadcast_in_dim3A_67 = arith.constant 0.000000e+00 : f32
      %broadcast_in_dim3A_68 = vector.broadcast %broadcast_in_dim3A_67 : f32 to vector<16xf32>
      %swap3A_69 = arith.index_cast %scan3A_47 : i32 to index
      %swap3A_70 = arith.constant 48 : index
      %swap3A_71 = tpu.vector_load %arg7[%swap3A_69, %swap3A_70] {strides = array<i32>} : memref<64x128xf32, #tpu.memory_space<vmem>>, vector<1x16xf32>,
      %swap3A_72 = vector.shape_cast %swap3A_71 : vector<1x16xf32> to vector<16xf32>
      %swap3A_73 = vector.shape_cast %broadcast_in_dim3A_68 : vector<16xf32> to vector<1x16xf32>
      tpu.vector_store %arg7[%swap3A_69, %swap3A_70], %swap3A_73 {strides = array<i32>} : memref<64x128xf32, #tpu.memory_space<vmem>>, vector<1x16xf32>,
      %broadcast_in_dim3A_74 = arith.constant 0.000000e+00 : f32
      %broadcast_in_dim3A_75 = vector.broadcast %broadcast_in_dim3A_74 : f32 to vector<16xf32>
      %swap3A_76 = arith.index_cast %scan3A_47 : i32 to index
      %swap3A_77 = arith.constant 64 : index
      %swap3A_78 = tpu.vector_load %arg7[%swap3A_76, %swap3A_77] {strides = array<i32>} : memref<64x128xf32, #tpu.memory_space<vmem>>, vector<1x16xf32>,
      %swap3A_79 = vector.shape_cast %swap3A_78 : vector<1x16xf32> to vector<16xf32>
      %swap3A_80 = vector.shape_cast %broadcast_in_dim3A_75 : vector<16xf32> to vector<1x16xf32>
      tpu.vector_store %arg7[%swap3A_76, %swap3A_77], %swap3A_80 {strides = array<i32>} : memref<64x128xf32, #tpu.memory_space<vmem>>, vector<1x16xf32>,
      %broadcast_in_dim3A_81 = arith.constant 0.000000e+00 : f32
      %broadcast_in_dim3A_82 = vector.broadcast %broadcast_in_dim3A_81 : f32 to vector<16xf32>
      %swap3A_83 = arith.index_cast %scan3A_47 : i32 to index
      %swap3A_84 = arith.constant 80 : index
      %swap3A_85 = tpu.vector_load %arg7[%swap3A_83, %swap3A_84] {strides = array<i32>} : memref<64x128xf32, #tpu.memory_space<vmem>>, vector<1x16xf32>,
      %swap3A_86 = vector.shape_cast %swap3A_85 : vector<1x16xf32> to vector<16xf32>
      %swap3A_87 = vector.shape_cast %broadcast_in_dim3A_82 : vector<16xf32> to vector<1x16xf32>
      tpu.vector_store %arg7[%swap3A_83, %swap3A_84], %swap3A_87 {strides = array<i32>} : memref<64x128xf32, #tpu.memory_space<vmem>>, vector<1x16xf32>,
      %broadcast_in_dim3A_88 = arith.constant 0.000000e+00 : f32
      %broadcast_in_dim3A_89 = vector.broadcast %broadcast_in_dim3A_88 : f32 to vector<16xf32>
      %swap3A_90 = arith.index_cast %scan3A_47 : i32 to index
      %swap3A_91 = arith.constant 96 : index
      %swap3A_92 = tpu.vector_load %arg7[%swap3A_90, %swap3A_91] {strides = array<i32>} : memref<64x128xf32, #tpu.memory_space<vmem>>, vector<1x16xf32>,
      %swap3A_93 = vector.shape_cast %swap3A_92 : vector<1x16xf32> to vector<16xf32>
      %swap3A_94 = vector.shape_cast %broadcast_in_dim3A_89 : vector<16xf32> to vector<1x16xf32>
      tpu.vector_store %arg7[%swap3A_90, %swap3A_91], %swap3A_94 {strides = array<i32>} : memref<64x128xf32, #tpu.memory_space<vmem>>, vector<1x16xf32>,
      %broadcast_in_dim3A_95 = arith.constant 0.000000e+00 : f32
      %broadcast_in_dim3A_96 = vector.broadcast %broadcast_in_dim3A_95 : f32 to vector<16xf32>
      %swap3A_97 = arith.index_cast %scan3A_47 : i32 to index
      %swap3A_98 = arith.constant 112 : index
      %swap3A_99 = tpu.vector_load %arg7[%swap3A_97, %swap3A_98] {strides = array<i32>} : memref<64x128xf32, #tpu.memory_space<vmem>>, vector<1x16xf32>,
      %swap3A_100 = vector.shape_cast %swap3A_99 : vector<1x16xf32> to vector<16xf32>
      %swap3A_101 = vector.shape_cast %broadcast_in_dim3A_96 : vector<16xf32> to vector<1x16xf32>
      tpu.vector_store %arg7[%swap3A_97, %swap3A_98], %swap3A_101 {strides = array<i32>} : memref<64x128xf32, #tpu.memory_space<vmem>>, vector<1x16xf32>,
    }
    %scan3A_7 = arith.constant 64 : i32
    %scan3A_8 = arith.constant 0 : i32
    %scan3A_9 = arith.constant 0 : i32
    %scan3A_10 = arith.constant 10 : i32
    %scan3A_11 = arith.addi %scan3A_9, %scan3A_10 : i32
    %scan3A_12 = arith.constant 1 : i32
    scf.for %scan3A_47 = %scan3A_9 to %scan3A_11 step %scan3A_12  : i32 {
      %mul3A_48 = arith.constant 640 : i32
      %mul3A_49 = arith.muli %arg1, %mul3A_48 : i32
      %mul3A_50 = arith.constant 64 : i32
      %mul3A_51 = arith.muli %scan3A_47, %mul3A_50 : i32
      %add3A_52 = arith.addi %mul3A_49, %mul3A_51 : i32
      "tpu.region"() ({
        %run_scoped3A = tpu.sem_alloc : memref<!tpu.dma_semaphore, #tpu.memory_space<semaphore_mem>>
        %dma_start3A_53 = arith.constant 0 : i32
        %dma_start3A_54 = tpu.memref_slice %arg9[%add3A_52, %dma_start3A_53] : memref<10240x128xf32, #tpu.memory_space<vmem_shared>> -> memref<64x128xf32, #tpu.memory_space<vmem_shared>>
        %dma_start3A_55 = arith.constant 0 : i32
        %dma_start3A_56 = tpu.memref_slice %arg9[%add3A_52, %dma_start3A_55] : memref<10240x128xf32, #tpu.memory_space<vmem_shared>> -> memref<64x128xf32, #tpu.memory_space<vmem_shared>>
        tpu.enqueue_dma source(%arg7 : memref<64x128xf32, #tpu.memory_space<vmem>>) target(%dma_start3A_56 : memref<64x128xf32, #tpu.memory_space<vmem_shared>>) target_semaphore(%run_scoped3A : memref<!tpu.dma_semaphore, #tpu.memory_space<semaphore_mem>>)
        %dma_wait3A_57 = arith.constant 0 : i32
        %dma_wait3A_58 = tpu.memref_slice %arg9[%add3A_52, %dma_wait3A_57] : memref<10240x128xf32, #tpu.memory_space<vmem_shared>> -> memref<64x128xf32, #tpu.memory_space<vmem_shared>>
        %dma_wait3A_59 = arith.constant 0 : i32
        %dma_wait3A_60 = tpu.memref_slice %arg9[%add3A_52, %dma_wait3A_59] : memref<10240x128xf32, #tpu.memory_space<vmem_shared>> -> memref<64x128xf32, #tpu.memory_space<vmem_shared>>
        tpu.wait_dma2 semaphore(%run_scoped3A : memref<!tpu.dma_semaphore, #tpu.memory_space<semaphore_mem>>) src(%arg7 : memref<64x128xf32, #tpu.memory_space<vmem>>) dst(%dma_wait3A_60 : memref<64x128xf32, #tpu.memory_space<vmem_shared>>)
        tpu.yield
      }) : () -> ()
    }
    %scan3A_13 = arith.constant 10 : i32
    %barrier3A = arith.constant 0 : index
    tpu.barrier barrier_id(%barrier3A)
    %add3A_14 = arith.constant 0 : i32
    %add3A_15 = arith.addi %mul3A_2, %add3A_14 : i32
    %dma_start3A = tpu.memref_slice %arg3[%add3A_15] : memref<323584xi32, #tpu.memory_space<hbm>> -> memref<64xi32, #tpu.memory_space<hbm>>
    %dma_start3A_16 = tpu.memref_slice %arg3[%add3A_15] : memref<323584xi32, #tpu.memory_space<hbm>> -> memref<64xi32, #tpu.memory_space<hbm>>
    tpu.enqueue_dma source(%dma_start3A_16 : memref<64xi32, #tpu.memory_space<hbm>>) target(%arg5 : memref<64xi32, #tpu.memory_space<vmem>>) target_semaphore(%arg10 : memref<!tpu.dma_semaphore, #tpu.memory_space<semaphore_mem>>)
    %dma_start3A_17 = arith.constant 0 : i32
    %dma_start3A_18 = tpu.memref_slice %arg2[%add3A_15, %dma_start3A_17] : memref<323584x128xf32, #tpu.memory_space<hbm>> -> memref<64x128xf32, #tpu.memory_space<hbm>>
    %dma_start3A_19 = arith.constant 0 : i32
    %dma_start3A_20 = tpu.memref_slice %arg2[%add3A_15, %dma_start3A_19] : memref<323584x128xf32, #tpu.memory_space<hbm>> -> memref<64x128xf32, #tpu.memory_space<hbm>>
    tpu.enqueue_dma source(%dma_start3A_20 : memref<64x128xf32, #tpu.memory_space<hbm>>) target(%arg7 : memref<64x128xf32, #tpu.memory_space<vmem>>) target_semaphore(%arg10 : memref<!tpu.dma_semaphore, #tpu.memory_space<semaphore_mem>>)
    %add3A_21 = arith.constant 64 : i32
    %add3A_22 = arith.addi %mul3A_2, %add3A_21 : i32
    %dma_start3A_23 = tpu.memref_slice %arg3[%add3A_22] : memref<323584xi32, #tpu.memory_space<hbm>> -> memref<64xi32, #tpu.memory_space<hbm>>
    %dma_start3A_24 = tpu.memref_slice %arg3[%add3A_22] : memref<323584xi32, #tpu.memory_space<hbm>> -> memref<64xi32, #tpu.memory_space<hbm>>
    tpu.enqueue_dma source(%dma_start3A_24 : memref<64xi32, #tpu.memory_space<hbm>>) target(%arg6 : memref<64xi32, #tpu.memory_space<vmem>>) target_semaphore(%arg11 : memref<!tpu.dma_semaphore, #tpu.memory_space<semaphore_mem>>)
    %dma_start3A_25 = arith.constant 0 : i32
    %dma_start3A_26 = tpu.memref_slice %arg2[%add3A_22, %dma_start3A_25] : memref<323584x128xf32, #tpu.memory_space<hbm>> -> memref<64x128xf32, #tpu.memory_space<hbm>>
    %dma_start3A_27 = arith.constant 0 : i32
    %dma_start3A_28 = tpu.memref_slice %arg2[%add3A_22, %dma_start3A_27] : memref<323584x128xf32, #tpu.memory_space<hbm>> -> memref<64x128xf32, #tpu.memory_space<hbm>>
    tpu.enqueue_dma source(%dma_start3A_28 : memref<64x128xf32, #tpu.memory_space<hbm>>) target(%arg8 : memref<64x128xf32, #tpu.memory_space<vmem>>) target_semaphore(%arg11 : memref<!tpu.dma_semaphore, #tpu.memory_space<semaphore_mem>>)
    %scan3A_29 = arith.constant 0 : i32
    %scan3A_30 = arith.constant 0 : i32
    %scan3A_31 = arith.constant 79 : i32
    %scan3A_32 = arith.addi %scan3A_30, %scan3A_31 : i32
    %scan3A_33 = arith.constant 1 : i32
    scf.for %scan3A_47 = %scan3A_30 to %scan3A_32 step %scan3A_33  : i32 {
      %mul3A_48 = arith.constant 2 : i32
      %mul3A_49 = arith.muli %scan3A_47, %mul3A_48 : i32
      %add3A_50 = arith.constant 0 : i32
      %add3A_51 = arith.addi %mul3A_49, %add3A_50 : i32
      %dma_wait3A_52 = arith.constant 0 : i32
      %dma_wait3A_53 = tpu.memref_slice %arg3[%dma_wait3A_52] : memref<323584xi32, #tpu.memory_space<hbm>> -> memref<64xi32, #tpu.memory_space<hbm>>
      %dma_wait3A_54 = arith.constant 0 : i32
      %dma_wait3A_55 = tpu.memref_slice %arg3[%dma_wait3A_54] : memref<323584xi32, #tpu.memory_space<hbm>> -> memref<64xi32, #tpu.memory_space<hbm>>
      tpu.wait_dma2 semaphore(%arg10 : memref<!tpu.dma_semaphore, #tpu.memory_space<semaphore_mem>>) src(%dma_wait3A_55 : memref<64xi32, #tpu.memory_space<hbm>>) dst(%arg5 : memref<64xi32, #tpu.memory_space<vmem>>)
      %dma_wait3A_56 = arith.constant 0 : i32
      %dma_wait3A_57 = arith.constant 0 : i32
      %dma_wait3A_58 = tpu.memref_slice %arg2[%dma_wait3A_56, %dma_wait3A_57] : memref<323584x128xf32, #tpu.memory_space<hbm>> -> memref<64x128xf32, #tpu.memory_space<hbm>>
      %dma_wait3A_59 = arith.constant 0 : i32
      %dma_wait3A_60 = arith.constant 0 : i32
      %dma_wait3A_61 = tpu.memref_slice %arg2[%dma_wait3A_59, %dma_wait3A_60] : memref<323584x128xf32, #tpu.memory_space<hbm>> -> memref<64x128xf32, #tpu.memory_space<hbm>>
      tpu.wait_dma2 semaphore(%arg10 : memref<!tpu.dma_semaphore, #tpu.memory_space<semaphore_mem>>) src(%dma_wait3A_61 : memref<64x128xf32, #tpu.memory_space<hbm>>) dst(%arg7 : memref<64x128xf32, #tpu.memory_space<vmem>>)
      %dma_start3A_62 = arith.constant 0 : i32
      %dma_start3A_63 = arith.constant 0 : i32
      %dma_start3A_64 = tpu.memref_slice %arg9[%dma_start3A_62, %dma_start3A_63] : memref<10240x128xf32, #tpu.memory_space<vmem_shared>> -> memref<10240x128xf32, #tpu.memory_space<vmem_shared>>
      tpu.enqueue_indirect_dma source(%arg7 : memref<64x128xf32, #tpu.memory_space<vmem>>) target(%dma_start3A_64 : memref<10240x128xf32, #tpu.memory_space<vmem_shared>>) offsets(%arg5 : memref<64xi32, #tpu.memory_space<vmem>>) semaphore(%arg12 : memref<!tpu.dma_semaphore, #tpu.memory_space<semaphore_mem>>) {add = true}
      %add3A_65 = arith.constant 2 : i32
      %add3A_66 = arith.addi %add3A_51, %add3A_65 : i32
      %lt3A = arith.constant 158 : i32
      %lt3A_67 = arith.cmpi slt, %add3A_66, %lt3A : i32
      %convert_element_type3A = arith.extui %lt3A_67 : i1 to i32
      %cond3A = arith.constant 0 : i32
      %cond3A_68 = arith.cmpi ne, %convert_element_type3A, %cond3A : i32
      scf.if %cond3A_68 {
        %dma_wait3A_93 = arith.constant 0 : i32
        %dma_wait3A_94 = arith.constant 0 : i32
        %dma_wait3A_95 = tpu.memref_slice %arg9[%dma_wait3A_93, %dma_wait3A_94] : memref<10240x128xf32, #tpu.memory_space<vmem_shared>> -> memref<10240x128xf32, #tpu.memory_space<vmem_shared>>
        tpu.wait_indirect_dma semaphore(%arg12 : memref<!tpu.dma_semaphore, #tpu.memory_space<semaphore_mem>>) src(%arg7 : memref<64x128xf32, #tpu.memory_space<vmem>>) dst(%dma_wait3A_95 : memref<10240x128xf32, #tpu.memory_space<vmem_shared>>)
        %add3A_96 = arith.constant 2 : i32
        %add3A_97 = arith.addi %add3A_51, %add3A_96 : i32
        %mul3A_98 = arith.constant 64 : i32
        %mul3A_99 = arith.muli %add3A_97, %mul3A_98 : i32
        %add3A_100 = arith.addi %mul3A_2, %mul3A_99 : i32
        %dma_start3A_101 = tpu.memref_slice %arg3[%add3A_100] : memref<323584xi32, #tpu.memory_space<hbm>> -> memref<64xi32, #tpu.memory_space<hbm>>
        %dma_start3A_102 = tpu.memref_slice %arg3[%add3A_100] : memref<323584xi32, #tpu.memory_space<hbm>> -> memref<64xi32, #tpu.memory_space<hbm>>
        tpu.enqueue_dma source(%dma_start3A_102 : memref<64xi32, #tpu.memory_space<hbm>>) target(%arg5 : memref<64xi32, #tpu.memory_space<vmem>>) target_semaphore(%arg10 : memref<!tpu.dma_semaphore, #tpu.memory_space<semaphore_mem>>)
        %dma_start3A_103 = arith.constant 0 : i32
        %dma_start3A_104 = tpu.memref_slice %arg2[%add3A_100, %dma_start3A_103] : memref<323584x128xf32, #tpu.memory_space<hbm>> -> memref<64x128xf32, #tpu.memory_space<hbm>>
        %dma_start3A_105 = arith.constant 0 : i32
        %dma_start3A_106 = tpu.memref_slice %arg2[%add3A_100, %dma_start3A_105] : memref<323584x128xf32, #tpu.memory_space<hbm>> -> memref<64x128xf32, #tpu.memory_space<hbm>>
        tpu.enqueue_dma source(%dma_start3A_106 : memref<64x128xf32, #tpu.memory_space<hbm>>) target(%arg7 : memref<64x128xf32, #tpu.memory_space<vmem>>) target_semaphore(%arg10 : memref<!tpu.dma_semaphore, #tpu.memory_space<semaphore_mem>>)
      } else {
      }
      %mul3A_69 = arith.constant 2 : i32
      %mul3A_70 = arith.muli %scan3A_47, %mul3A_69 : i32
      %add3A_71 = arith.constant 1 : i32
      %add3A_72 = arith.addi %mul3A_70, %add3A_71 : i32
      %dma_wait3A_73 = arith.constant 0 : i32
      %dma_wait3A_74 = tpu.memref_slice %arg3[%dma_wait3A_73] : memref<323584xi32, #tpu.memory_space<hbm>> -> memref<64xi32, #tpu.memory_space<hbm>>
      %dma_wait3A_75 = arith.constant 0 : i32
      %dma_wait3A_76 = tpu.memref_slice %arg3[%dma_wait3A_75] : memref<323584xi32, #tpu.memory_space<hbm>> -> memref<64xi32, #tpu.memory_space<hbm>>
      tpu.wait_dma2 semaphore(%arg11 : memref<!tpu.dma_semaphore, #tpu.memory_space<semaphore_mem>>) src(%dma_wait3A_76 : memref<64xi32, #tpu.memory_space<hbm>>) dst(%arg6 : memref<64xi32, #tpu.memory_space<vmem>>)
      %dma_wait3A_77 = arith.constant 0 : i32
      %dma_wait3A_78 = arith.constant 0 : i32
      %dma_wait3A_79 = tpu.memref_slice %arg2[%dma_wait3A_77, %dma_wait3A_78] : memref<323584x128xf32, #tpu.memory_space<hbm>> -> memref<64x128xf32, #tpu.memory_space<hbm>>
      %dma_wait3A_80 = arith.constant 0 : i32
      %dma_wait3A_81 = arith.constant 0 : i32
      %dma_wait3A_82 = tpu.memref_slice %arg2[%dma_wait3A_80, %dma_wait3A_81] : memref<323584x128xf32, #tpu.memory_space<hbm>> -> memref<64x128xf32, #tpu.memory_space<hbm>>
      tpu.wait_dma2 semaphore(%arg11 : memref<!tpu.dma_semaphore, #tpu.memory_space<semaphore_mem>>) src(%dma_wait3A_82 : memref<64x128xf32, #tpu.memory_space<hbm>>) dst(%arg8 : memref<64x128xf32, #tpu.memory_space<vmem>>)
      %dma_start3A_83 = arith.constant 0 : i32
      %dma_start3A_84 = arith.constant 0 : i32
      %dma_start3A_85 = tpu.memref_slice %arg9[%dma_start3A_83, %dma_start3A_84] : memref<10240x128xf32, #tpu.memory_space<vmem_shared>> -> memref<10240x128xf32, #tpu.memory_space<vmem_shared>>
      tpu.enqueue_indirect_dma source(%arg8 : memref<64x128xf32, #tpu.memory_space<vmem>>) target(%dma_start3A_85 : memref<10240x128xf32, #tpu.memory_space<vmem_shared>>) offsets(%arg6 : memref<64xi32, #tpu.memory_space<vmem>>) semaphore(%arg13 : memref<!tpu.dma_semaphore, #tpu.memory_space<semaphore_mem>>) {add = true}
      %add3A_86 = arith.constant 2 : i32
      %add3A_87 = arith.addi %add3A_72, %add3A_86 : i32
      %lt3A_88 = arith.constant 158 : i32
      %lt3A_89 = arith.cmpi slt, %add3A_87, %lt3A_88 : i32
      %convert_element_type3A_90 = arith.extui %lt3A_89 : i1 to i32
      %cond3A_91 = arith.constant 0 : i32
      %cond3A_92 = arith.cmpi ne, %convert_element_type3A_90, %cond3A_91 : i32
      scf.if %cond3A_92 {
        %dma_wait3A_93 = arith.constant 0 : i32
        %dma_wait3A_94 = arith.constant 0 : i32
        %dma_wait3A_95 = tpu.memref_slice %arg9[%dma_wait3A_93, %dma_wait3A_94] : memref<10240x128xf32, #tpu.memory_space<vmem_shared>> -> memref<10240x128xf32, #tpu.memory_space<vmem_shared>>
        tpu.wait_indirect_dma semaphore(%arg13 : memref<!tpu.dma_semaphore, #tpu.memory_space<semaphore_mem>>) src(%arg8 : memref<64x128xf32, #tpu.memory_space<vmem>>) dst(%dma_wait3A_95 : memref<10240x128xf32, #tpu.memory_space<vmem_shared>>)
        %add3A_96 = arith.constant 2 : i32
        %add3A_97 = arith.addi %add3A_72, %add3A_96 : i32
        %mul3A_98 = arith.constant 64 : i32
        %mul3A_99 = arith.muli %add3A_97, %mul3A_98 : i32
        %add3A_100 = arith.addi %mul3A_2, %mul3A_99 : i32
        %dma_start3A_101 = tpu.memref_slice %arg3[%add3A_100] : memref<323584xi32, #tpu.memory_space<hbm>> -> memref<64xi32, #tpu.memory_space<hbm>>
        %dma_start3A_102 = tpu.memref_slice %arg3[%add3A_100] : memref<323584xi32, #tpu.memory_space<hbm>> -> memref<64xi32, #tpu.memory_space<hbm>>
        tpu.enqueue_dma source(%dma_start3A_102 : memref<64xi32, #tpu.memory_space<hbm>>) target(%arg6 : memref<64xi32, #tpu.memory_space<vmem>>) target_semaphore(%arg11 : memref<!tpu.dma_semaphore, #tpu.memory_space<semaphore_mem>>)
        %dma_start3A_103 = arith.constant 0 : i32
        %dma_start3A_104 = tpu.memref_slice %arg2[%add3A_100, %dma_start3A_103] : memref<323584x128xf32, #tpu.memory_space<hbm>> -> memref<64x128xf32, #tpu.memory_space<hbm>>
        %dma_start3A_105 = arith.constant 0 : i32
        %dma_start3A_106 = tpu.memref_slice %arg2[%add3A_100, %dma_start3A_105] : memref<323584x128xf32, #tpu.memory_space<hbm>> -> memref<64x128xf32, #tpu.memory_space<hbm>>
        tpu.enqueue_dma source(%dma_start3A_106 : memref<64x128xf32, #tpu.memory_space<hbm>>) target(%arg8 : memref<64x128xf32, #tpu.memory_space<vmem>>) target_semaphore(%arg11 : memref<!tpu.dma_semaphore, #tpu.memory_space<semaphore_mem>>)
      } else {
      }
    }
    %scan3A_34 = arith.constant 79 : i32
    %dma_wait3A = arith.constant 0 : i32
    %dma_wait3A_35 = arith.constant 0 : i32
    %dma_wait3A_36 = tpu.memref_slice %arg9[%dma_wait3A, %dma_wait3A_35] : memref<10240x128xf32, #tpu.memory_space<vmem_shared>> -> memref<10240x128xf32, #tpu.memory_space<vmem_shared>>
    tpu.wait_indirect_dma semaphore(%arg12 : memref<!tpu.dma_semaphore, #tpu.memory_space<semaphore_mem>>) src(%arg7 : memref<64x128xf32, #tpu.memory_space<vmem>>) dst(%dma_wait3A_36 : memref<10240x128xf32, #tpu.memory_space<vmem_shared>>)
    %dma_wait3A_37 = arith.constant 0 : i32
    %dma_wait3A_38 = arith.constant 0 : i32
    %dma_wait3A_39 = tpu.memref_slice %arg9[%dma_wait3A_37, %dma_wait3A_38] : memref<10240x128xf32, #tpu.memory_space<vmem_shared>> -> memref<10240x128xf32, #tpu.memory_space<vmem_shared>>
    tpu.wait_indirect_dma semaphore(%arg13 : memref<!tpu.dma_semaphore, #tpu.memory_space<semaphore_mem>>) src(%arg8 : memref<64x128xf32, #tpu.memory_space<vmem>>) dst(%dma_wait3A_39 : memref<10240x128xf32, #tpu.memory_space<vmem_shared>>)
    %barrier3A_40 = arith.constant 0 : index
    tpu.barrier barrier_id(%barrier3A_40)
    %scan3A_41 = arith.constant 0 : i32
    %scan3A_42 = arith.constant 0 : i32
    %scan3A_43 = arith.constant 10 : i32
    %scan3A_44 = arith.addi %scan3A_42, %scan3A_43 : i32
    %scan3A_45 = arith.constant 1 : i32
    scf.for %scan3A_47 = %scan3A_42 to %scan3A_44 step %scan3A_45  : i32 {
      %mul3A_48 = arith.constant 640 : i32
      %mul3A_49 = arith.muli %arg1, %mul3A_48 : i32
      %mul3A_50 = arith.constant 64 : i32
      %mul3A_51 = arith.muli %scan3A_47, %mul3A_50 : i32
      %add3A_52 = arith.addi %mul3A_49, %mul3A_51 : i32
      "tpu.region"() ({
        %run_scoped3A = tpu.sem_alloc : memref<!tpu.dma_semaphore, #tpu.memory_space<semaphore_mem>>
        %dma_start3A_53 = arith.constant 0 : i32
        %dma_start3A_54 = tpu.memref_slice %arg9[%add3A_52, %dma_start3A_53] : memref<10240x128xf32, #tpu.memory_space<vmem_shared>> -> memref<64x128xf32, #tpu.memory_space<vmem_shared>>
        %dma_start3A_55 = arith.constant 0 : i32
        %dma_start3A_56 = tpu.memref_slice %arg9[%add3A_52, %dma_start3A_55] : memref<10240x128xf32, #tpu.memory_space<vmem_shared>> -> memref<64x128xf32, #tpu.memory_space<vmem_shared>>
        tpu.enqueue_dma source(%dma_start3A_56 : memref<64x128xf32, #tpu.memory_space<vmem_shared>>) target(%arg7 : memref<64x128xf32, #tpu.memory_space<vmem>>) target_semaphore(%run_scoped3A : memref<!tpu.dma_semaphore, #tpu.memory_space<semaphore_mem>>)
        %dma_wait3A_57 = arith.constant 0 : i32
        %dma_wait3A_58 = tpu.memref_slice %arg9[%add3A_52, %dma_wait3A_57] : memref<10240x128xf32, #tpu.memory_space<vmem_shared>> -> memref<64x128xf32, #tpu.memory_space<vmem_shared>>
        %dma_wait3A_59 = arith.constant 0 : i32
        %dma_wait3A_60 = tpu.memref_slice %arg9[%add3A_52, %dma_wait3A_59] : memref<10240x128xf32, #tpu.memory_space<vmem_shared>> -> memref<64x128xf32, #tpu.memory_space<vmem_shared>>
        tpu.wait_dma2 semaphore(%run_scoped3A : memref<!tpu.dma_semaphore, #tpu.memory_space<semaphore_mem>>) src(%dma_wait3A_60 : memref<64x128xf32, #tpu.memory_space<vmem_shared>>) dst(%arg7 : memref<64x128xf32, #tpu.memory_space<vmem>>)
        tpu.yield
      }) : () -> ()
      "tpu.region"() ({
        %run_scoped3A = tpu.sem_alloc : memref<!tpu.dma_semaphore, #tpu.memory_space<semaphore_mem>>
        %dma_start3A_53 = arith.constant 0 : i32
        %dma_start3A_54 = tpu.memref_slice %arg4[%arg0, %add3A_52, %dma_start3A_53] : memref<2x10240x128xf32, #tpu.memory_space<hbm>> -> memref<1x64x128xf32, #tpu.memory_space<hbm>>
        %dma_start3A_55 = tpu.memref_squeeze %dma_start3A_54 : memref<1x64x128xf32, #tpu.memory_space<hbm>> -> memref<64x128xf32, #tpu.memory_space<hbm>>
        %dma_start3A_56 = arith.constant 0 : i32
        %dma_start3A_57 = tpu.memref_slice %arg4[%arg0, %add3A_52, %dma_start3A_56] : memref<2x10240x128xf32, #tpu.memory_space<hbm>> -> memref<1x64x128xf32, #tpu.memory_space<hbm>>
        %dma_start3A_58 = tpu.memref_squeeze %dma_start3A_57 : memref<1x64x128xf32, #tpu.memory_space<hbm>> -> memref<64x128xf32, #tpu.memory_space<hbm>>
        tpu.enqueue_dma source(%arg7 : memref<64x128xf32, #tpu.memory_space<vmem>>) target(%dma_start3A_58 : memref<64x128xf32, #tpu.memory_space<hbm>>) target_semaphore(%run_scoped3A : memref<!tpu.dma_semaphore, #tpu.memory_space<semaphore_mem>>)
        %dma_wait3A_59 = arith.constant 0 : i32
        %dma_wait3A_60 = tpu.memref_slice %arg4[%arg0, %add3A_52, %dma_wait3A_59] : memref<2x10240x128xf32, #tpu.memory_space<hbm>> -> memref<1x64x128xf32, #tpu.memory_space<hbm>>
        %dma_wait3A_61 = tpu.memref_squeeze %dma_wait3A_60 : memref<1x64x128xf32, #tpu.memory_space<hbm>> -> memref<64x128xf32, #tpu.memory_space<hbm>>
        %dma_wait3A_62 = arith.constant 0 : i32
        %dma_wait3A_63 = tpu.memref_slice %arg4[%arg0, %add3A_52, %dma_wait3A_62] : memref<2x10240x128xf32, #tpu.memory_space<hbm>> -> memref<1x64x128xf32, #tpu.memory_space<hbm>>
        %dma_wait3A_64 = tpu.memref_squeeze %dma_wait3A_63 : memref<1x64x128xf32, #tpu.memory_space<hbm>> -> memref<64x128xf32, #tpu.memory_space<hbm>>
        tpu.wait_dma2 semaphore(%run_scoped3A : memref<!tpu.dma_semaphore, #tpu.memory_space<semaphore_mem>>) src(%arg7 : memref<64x128xf32, #tpu.memory_space<vmem>>) dst(%dma_wait3A_64 : memref<64x128xf32, #tpu.memory_space<hbm>>)
        tpu.yield
      }) : () -> ()
    }
    %scan3A_46 = arith.constant 10 : i32
    return
  }
}

#map = affine_map<(d0, d1) -> (0, 0)>
#map1 = affine_map<(d0, d1) -> (0)>
module attributes {stable_mosaic.version = 14 : i64} {
  func.func @_sc_gather(%arg0: i32, %arg1: i32, %arg2: memref<10000x144xf32, #tpu.memory_space<hbm>>, %arg3: memref<10000x144xf32, #tpu.memory_space<hbm>>, %arg4: memref<323584xi32, #tpu.memory_space<hbm>>, %arg5: memref<323584xi32, #tpu.memory_space<hbm>>, %arg6: memref<323584x128xf32, #tpu.memory_space<hbm>>, %arg7: memref<323584x16xf32, #tpu.memory_space<hbm>>, %arg8: memref<64xi32, #tpu.memory_space<vmem>>, %arg9: memref<64xi32, #tpu.memory_space<vmem>>, %arg10: memref<64xi32, #tpu.memory_space<vmem>>, %arg11: memref<64xi32, #tpu.memory_space<vmem>>, %arg12: memref<64x144xf32, #tpu.memory_space<vmem>>, %arg13: memref<64x144xf32, #tpu.memory_space<vmem>>, %arg14: memref<64x144xf32, #tpu.memory_space<vmem>>, %arg15: memref<64x144xf32, #tpu.memory_space<vmem>>, %arg16: memref<64x128xf32, #tpu.memory_space<vmem>>, %arg17: memref<64x128xf32, #tpu.memory_space<vmem>>, %arg18: memref<64x16xf32, #tpu.memory_space<vmem>>, %arg19: memref<64x16xf32, #tpu.memory_space<vmem>>, %arg20: memref<!tpu.dma_semaphore, #tpu.memory_space<semaphore_mem>>, %arg21: memref<!tpu.dma_semaphore, #tpu.memory_space<semaphore_mem>>, %arg22: memref<!tpu.dma_semaphore, #tpu.memory_space<semaphore_mem>>, %arg23: memref<!tpu.dma_semaphore, #tpu.memory_space<semaphore_mem>>, %arg24: memref<!tpu.dma_semaphore, #tpu.memory_space<semaphore_mem>>, %arg25: memref<!tpu.dma_semaphore, #tpu.memory_space<semaphore_mem>>) attributes {dimension_semantics = [#tpu.dimension_semantics<core_parallel>, #tpu.dimension_semantics<subcore_parallel>], iteration_bounds = array<i64: 2, 16>, scalar_prefetch = 0 : i64, scratch_operands = 18 : i64, tpu.core_type = #tpu.core_type<sc_vector_subcore>, window_params = [{transform_indices = #map}, {transform_indices = #map}, {transform_indices = #map1}, {transform_indices = #map1}, {transform_indices = #map}, {transform_indices = #map}]} {
    %mul3A = arith.constant 2 : i32
    %mul3A_0 = arith.muli %arg1, %mul3A : i32
    %add3A = arith.addi %mul3A_0, %arg0 : i32
    %mul3A_1 = arith.constant 10112 : i32
    %mul3A_2 = arith.muli %add3A, %mul3A_1 : i32
    %add3A_3 = arith.constant 0 : i32
    %add3A_4 = arith.addi %mul3A_2, %add3A_3 : i32
    %dma_start3A = tpu.memref_slice %arg4[%add3A_4] : memref<323584xi32, #tpu.memory_space<hbm>> -> memref<64xi32, #tpu.memory_space<hbm>>
    %dma_start3A_5 = tpu.memref_slice %arg4[%add3A_4] : memref<323584xi32, #tpu.memory_space<hbm>> -> memref<64xi32, #tpu.memory_space<hbm>>
    tpu.enqueue_dma source(%dma_start3A_5 : memref<64xi32, #tpu.memory_space<hbm>>) target(%arg8 : memref<64xi32, #tpu.memory_space<vmem>>) target_semaphore(%arg20 : memref<!tpu.dma_semaphore, #tpu.memory_space<semaphore_mem>>)
    %dma_start3A_6 = tpu.memref_slice %arg5[%add3A_4] : memref<323584xi32, #tpu.memory_space<hbm>> -> memref<64xi32, #tpu.memory_space<hbm>>
    %dma_start3A_7 = tpu.memref_slice %arg5[%add3A_4] : memref<323584xi32, #tpu.memory_space<hbm>> -> memref<64xi32, #tpu.memory_space<hbm>>
    tpu.enqueue_dma source(%dma_start3A_7 : memref<64xi32, #tpu.memory_space<hbm>>) target(%arg10 : memref<64xi32, #tpu.memory_space<vmem>>) target_semaphore(%arg20 : memref<!tpu.dma_semaphore, #tpu.memory_space<semaphore_mem>>)
    %dma_wait3A = arith.constant 0 : i32
    %dma_wait3A_8 = tpu.memref_slice %arg4[%dma_wait3A] : memref<323584xi32, #tpu.memory_space<hbm>> -> memref<64xi32, #tpu.memory_space<hbm>>
    %dma_wait3A_9 = arith.constant 0 : i32
    %dma_wait3A_10 = tpu.memref_slice %arg4[%dma_wait3A_9] : memref<323584xi32, #tpu.memory_space<hbm>> -> memref<64xi32, #tpu.memory_space<hbm>>
    tpu.wait_dma2 semaphore(%arg20 : memref<!tpu.dma_semaphore, #tpu.memory_space<semaphore_mem>>) src(%dma_wait3A_10 : memref<64xi32, #tpu.memory_space<hbm>>) dst(%arg8 : memref<64xi32, #tpu.memory_space<vmem>>)
    %dma_wait3A_11 = arith.constant 0 : i32
    %dma_wait3A_12 = tpu.memref_slice %arg5[%dma_wait3A_11] : memref<323584xi32, #tpu.memory_space<hbm>> -> memref<64xi32, #tpu.memory_space<hbm>>
    %dma_wait3A_13 = arith.constant 0 : i32
    %dma_wait3A_14 = tpu.memref_slice %arg5[%dma_wait3A_13] : memref<323584xi32, #tpu.memory_space<hbm>> -> memref<64xi32, #tpu.memory_space<hbm>>
    tpu.wait_dma2 semaphore(%arg20 : memref<!tpu.dma_semaphore, #tpu.memory_space<semaphore_mem>>) src(%dma_wait3A_14 : memref<64xi32, #tpu.memory_space<hbm>>) dst(%arg10 : memref<64xi32, #tpu.memory_space<vmem>>)
    %dma_start3A_15 = arith.constant 0 : i32
    %dma_start3A_16 = arith.constant 0 : i32
    %dma_start3A_17 = tpu.memref_slice %arg2[%dma_start3A_15, %dma_start3A_16] : memref<10000x144xf32, #tpu.memory_space<hbm>> -> memref<10000x144xf32, #tpu.memory_space<hbm>>
    tpu.enqueue_indirect_dma source(%dma_start3A_17 : memref<10000x144xf32, #tpu.memory_space<hbm>>) target(%arg12 : memref<64x144xf32, #tpu.memory_space<vmem>>) offsets(%arg8 : memref<64xi32, #tpu.memory_space<vmem>>) semaphore(%arg22 : memref<!tpu.dma_semaphore, #tpu.memory_space<semaphore_mem>>)
    %dma_start3A_18 = arith.constant 0 : i32
    %dma_start3A_19 = arith.constant 0 : i32
    %dma_start3A_20 = tpu.memref_slice %arg3[%dma_start3A_18, %dma_start3A_19] : memref<10000x144xf32, #tpu.memory_space<hbm>> -> memref<10000x144xf32, #tpu.memory_space<hbm>>
    tpu.enqueue_indirect_dma source(%dma_start3A_20 : memref<10000x144xf32, #tpu.memory_space<hbm>>) target(%arg14 : memref<64x144xf32, #tpu.memory_space<vmem>>) offsets(%arg10 : memref<64xi32, #tpu.memory_space<vmem>>) semaphore(%arg22 : memref<!tpu.dma_semaphore, #tpu.memory_space<semaphore_mem>>)
    %add3A_21 = arith.constant 64 : i32
    %add3A_22 = arith.addi %mul3A_2, %add3A_21 : i32
    %dma_start3A_23 = tpu.memref_slice %arg4[%add3A_22] : memref<323584xi32, #tpu.memory_space<hbm>> -> memref<64xi32, #tpu.memory_space<hbm>>
    %dma_start3A_24 = tpu.memref_slice %arg4[%add3A_22] : memref<323584xi32, #tpu.memory_space<hbm>> -> memref<64xi32, #tpu.memory_space<hbm>>
    tpu.enqueue_dma source(%dma_start3A_24 : memref<64xi32, #tpu.memory_space<hbm>>) target(%arg9 : memref<64xi32, #tpu.memory_space<vmem>>) target_semaphore(%arg21 : memref<!tpu.dma_semaphore, #tpu.memory_space<semaphore_mem>>)
    %dma_start3A_25 = tpu.memref_slice %arg5[%add3A_22] : memref<323584xi32, #tpu.memory_space<hbm>> -> memref<64xi32, #tpu.memory_space<hbm>>
    %dma_start3A_26 = tpu.memref_slice %arg5[%add3A_22] : memref<323584xi32, #tpu.memory_space<hbm>> -> memref<64xi32, #tpu.memory_space<hbm>>
    tpu.enqueue_dma source(%dma_start3A_26 : memref<64xi32, #tpu.memory_space<hbm>>) target(%arg11 : memref<64xi32, #tpu.memory_space<vmem>>) target_semaphore(%arg21 : memref<!tpu.dma_semaphore, #tpu.memory_space<semaphore_mem>>)
    %scan3A = arith.constant 0 : i32
    %scan3A_27 = arith.constant 0 : i32
    %scan3A_28 = arith.constant 79 : i32
    %scan3A_29 = arith.addi %scan3A_27, %scan3A_28 : i32
    %scan3A_30 = arith.constant 1 : i32
    scf.for %scan3A_56 = %scan3A_27 to %scan3A_29 step %scan3A_30  : i32 {
      %mul3A_57 = arith.constant 2 : i32
      %mul3A_58 = arith.muli %scan3A_56, %mul3A_57 : i32
      %add3A_59 = arith.constant 0 : i32
      %add3A_60 = arith.addi %mul3A_58, %add3A_59 : i32
      %dma_wait3A_61 = arith.constant 0 : i32
      %dma_wait3A_62 = arith.constant 0 : i32
      %dma_wait3A_63 = tpu.memref_slice %arg2[%dma_wait3A_61, %dma_wait3A_62] : memref<10000x144xf32, #tpu.memory_space<hbm>> -> memref<10000x144xf32, #tpu.memory_space<hbm>>
      tpu.wait_indirect_dma semaphore(%arg22 : memref<!tpu.dma_semaphore, #tpu.memory_space<semaphore_mem>>) src(%dma_wait3A_63 : memref<10000x144xf32, #tpu.memory_space<hbm>>) dst(%arg12 : memref<64x144xf32, #tpu.memory_space<vmem>>)
      %dma_wait3A_64 = arith.constant 0 : i32
      %dma_wait3A_65 = arith.constant 0 : i32
      %dma_wait3A_66 = tpu.memref_slice %arg3[%dma_wait3A_64, %dma_wait3A_65] : memref<10000x144xf32, #tpu.memory_space<hbm>> -> memref<10000x144xf32, #tpu.memory_space<hbm>>
      tpu.wait_indirect_dma semaphore(%arg22 : memref<!tpu.dma_semaphore, #tpu.memory_space<semaphore_mem>>) src(%dma_wait3A_66 : memref<10000x144xf32, #tpu.memory_space<hbm>>) dst(%arg14 : memref<64x144xf32, #tpu.memory_space<vmem>>)
      %add3A_67 = arith.constant 2 : i32
      %add3A_68 = arith.addi %add3A_60, %add3A_67 : i32
      %lt3A = arith.constant 158 : i32
      %lt3A_69 = arith.cmpi slt, %add3A_68, %lt3A : i32
      %convert_element_type3A = arith.extui %lt3A_69 : i1 to i32
      %cond3A = arith.constant 0 : i32
      %cond3A_70 = arith.cmpi ne, %convert_element_type3A, %cond3A : i32
      scf.if %cond3A_70 {
        %add3A_138 = arith.constant 2 : i32
        %add3A_139 = arith.addi %add3A_60, %add3A_138 : i32
        %mul3A_140 = arith.constant 64 : i32
        %mul3A_141 = arith.muli %add3A_139, %mul3A_140 : i32
        %add3A_142 = arith.addi %mul3A_2, %mul3A_141 : i32
        %dma_start3A_143 = tpu.memref_slice %arg4[%add3A_142] : memref<323584xi32, #tpu.memory_space<hbm>> -> memref<64xi32, #tpu.memory_space<hbm>>
        %dma_start3A_144 = tpu.memref_slice %arg4[%add3A_142] : memref<323584xi32, #tpu.memory_space<hbm>> -> memref<64xi32, #tpu.memory_space<hbm>>
        tpu.enqueue_dma source(%dma_start3A_144 : memref<64xi32, #tpu.memory_space<hbm>>) target(%arg8 : memref<64xi32, #tpu.memory_space<vmem>>) target_semaphore(%arg20 : memref<!tpu.dma_semaphore, #tpu.memory_space<semaphore_mem>>)
        %dma_start3A_145 = tpu.memref_slice %arg5[%add3A_142] : memref<323584xi32, #tpu.memory_space<hbm>> -> memref<64xi32, #tpu.memory_space<hbm>>
        %dma_start3A_146 = tpu.memref_slice %arg5[%add3A_142] : memref<323584xi32, #tpu.memory_space<hbm>> -> memref<64xi32, #tpu.memory_space<hbm>>
        tpu.enqueue_dma source(%dma_start3A_146 : memref<64xi32, #tpu.memory_space<hbm>>) target(%arg10 : memref<64xi32, #tpu.memory_space<vmem>>) target_semaphore(%arg20 : memref<!tpu.dma_semaphore, #tpu.memory_space<semaphore_mem>>)
      } else {
      }
      %add3A_71 = arith.constant 1 : i32
      %add3A_72 = arith.addi %add3A_60, %add3A_71 : i32
      %lt3A_73 = arith.constant 158 : i32
      %lt3A_74 = arith.cmpi slt, %add3A_72, %lt3A_73 : i32
      %convert_element_type3A_75 = arith.extui %lt3A_74 : i1 to i32
      %cond3A_76 = arith.constant 0 : i32
      %cond3A_77 = arith.cmpi ne, %convert_element_type3A_75, %cond3A_76 : i32
      scf.if %cond3A_77 {
        %dma_wait3A_138 = arith.constant 0 : i32
        %dma_wait3A_139 = tpu.memref_slice %arg4[%dma_wait3A_138] : memref<323584xi32, #tpu.memory_space<hbm>> -> memref<64xi32, #tpu.memory_space<hbm>>
        %dma_wait3A_140 = arith.constant 0 : i32
        %dma_wait3A_141 = tpu.memref_slice %arg4[%dma_wait3A_140] : memref<323584xi32, #tpu.memory_space<hbm>> -> memref<64xi32, #tpu.memory_space<hbm>>
        tpu.wait_dma2 semaphore(%arg21 : memref<!tpu.dma_semaphore, #tpu.memory_space<semaphore_mem>>) src(%dma_wait3A_141 : memref<64xi32, #tpu.memory_space<hbm>>) dst(%arg9 : memref<64xi32, #tpu.memory_space<vmem>>)
        %dma_wait3A_142 = arith.constant 0 : i32
        %dma_wait3A_143 = tpu.memref_slice %arg5[%dma_wait3A_142] : memref<323584xi32, #tpu.memory_space<hbm>> -> memref<64xi32, #tpu.memory_space<hbm>>
        %dma_wait3A_144 = arith.constant 0 : i32
        %dma_wait3A_145 = tpu.memref_slice %arg5[%dma_wait3A_144] : memref<323584xi32, #tpu.memory_space<hbm>> -> memref<64xi32, #tpu.memory_space<hbm>>
        tpu.wait_dma2 semaphore(%arg21 : memref<!tpu.dma_semaphore, #tpu.memory_space<semaphore_mem>>) src(%dma_wait3A_145 : memref<64xi32, #tpu.memory_space<hbm>>) dst(%arg11 : memref<64xi32, #tpu.memory_space<vmem>>)
        %dma_start3A_146 = arith.constant 0 : i32
        %dma_start3A_147 = arith.constant 0 : i32
        %dma_start3A_148 = tpu.memref_slice %arg2[%dma_start3A_146, %dma_start3A_147] : memref<10000x144xf32, #tpu.memory_space<hbm>> -> memref<10000x144xf32, #tpu.memory_space<hbm>>
        tpu.enqueue_indirect_dma source(%dma_start3A_148 : memref<10000x144xf32, #tpu.memory_space<hbm>>) target(%arg13 : memref<64x144xf32, #tpu.memory_space<vmem>>) offsets(%arg9 : memref<64xi32, #tpu.memory_space<vmem>>) semaphore(%arg23 : memref<!tpu.dma_semaphore, #tpu.memory_space<semaphore_mem>>)
        %dma_start3A_149 = arith.constant 0 : i32
        %dma_start3A_150 = arith.constant 0 : i32
        %dma_start3A_151 = tpu.memref_slice %arg3[%dma_start3A_149, %dma_start3A_150] : memref<10000x144xf32, #tpu.memory_space<hbm>> -> memref<10000x144xf32, #tpu.memory_space<hbm>>
        tpu.enqueue_indirect_dma source(%dma_start3A_151 : memref<10000x144xf32, #tpu.memory_space<hbm>>) target(%arg15 : memref<64x144xf32, #tpu.memory_space<vmem>>) offsets(%arg11 : memref<64xi32, #tpu.memory_space<vmem>>) semaphore(%arg23 : memref<!tpu.dma_semaphore, #tpu.memory_space<semaphore_mem>>)
      } else {
      }
      %ge3A = arith.constant 2 : i32
      %ge3A_78 = arith.cmpi sge, %add3A_60, %ge3A : i32
      %convert_element_type3A_79 = arith.extui %ge3A_78 : i1 to i32
      %cond3A_80 = arith.constant 0 : i32
      %cond3A_81 = arith.cmpi ne, %convert_element_type3A_79, %cond3A_80 : i32
      scf.if %cond3A_81 {
        %dma_wait3A_138 = arith.constant 0 : i32
        %dma_wait3A_139 = arith.constant 0 : i32
        %dma_wait3A_140 = tpu.memref_slice %arg6[%dma_wait3A_138, %dma_wait3A_139] : memref<323584x128xf32, #tpu.memory_space<hbm>> -> memref<64x128xf32, #tpu.memory_space<hbm>>
        %dma_wait3A_141 = arith.constant 0 : i32
        %dma_wait3A_142 = arith.constant 0 : i32
        %dma_wait3A_143 = tpu.memref_slice %arg6[%dma_wait3A_141, %dma_wait3A_142] : memref<323584x128xf32, #tpu.memory_space<hbm>> -> memref<64x128xf32, #tpu.memory_space<hbm>>
        tpu.wait_dma2 semaphore(%arg24 : memref<!tpu.dma_semaphore, #tpu.memory_space<semaphore_mem>>) src(%arg16 : memref<64x128xf32, #tpu.memory_space<vmem>>) dst(%dma_wait3A_143 : memref<64x128xf32, #tpu.memory_space<hbm>>)
        %dma_wait3A_144 = arith.constant 0 : i32
        %dma_wait3A_145 = arith.constant 0 : i32
        %dma_wait3A_146 = tpu.memref_slice %arg7[%dma_wait3A_144, %dma_wait3A_145] : memref<323584x16xf32, #tpu.memory_space<hbm>> -> memref<64x16xf32, #tpu.memory_space<hbm>>
        %dma_wait3A_147 = arith.constant 0 : i32
        %dma_wait3A_148 = arith.constant 0 : i32
        %dma_wait3A_149 = tpu.memref_slice %arg7[%dma_wait3A_147, %dma_wait3A_148] : memref<323584x16xf32, #tpu.memory_space<hbm>> -> memref<64x16xf32, #tpu.memory_space<hbm>>
        tpu.wait_dma2 semaphore(%arg24 : memref<!tpu.dma_semaphore, #tpu.memory_space<semaphore_mem>>) src(%arg18 : memref<64x16xf32, #tpu.memory_space<vmem>>) dst(%dma_wait3A_149 : memref<64x16xf32, #tpu.memory_space<hbm>>)
      } else {
      }
      %parallel_loop3A = arith.constant 0 : i32
      %parallel_loop3A_82 = arith.constant 64 : i32
      %parallel_loop3A_83 = arith.constant 1 : i32
      scf.for %parallel_loop3A_138 = %parallel_loop3A to %parallel_loop3A_82 step %parallel_loop3A_83  : i32 {
        %parallel_loop3A_139 = arith.index_cast %parallel_loop3A_138 : i32 to index
        %parallel_loop3A_140 = arith.constant 0 : index
        %parallel_loop3A_141 = tpu.vector_load %arg12[%parallel_loop3A_139, %parallel_loop3A_140] {strides = array<i32>} : memref<64x144xf32, #tpu.memory_space<vmem>>, vector<1x16xf32>,
        %parallel_loop3A_142 = vector.shape_cast %parallel_loop3A_141 : vector<1x16xf32> to vector<16xf32>
        %parallel_loop3A_143 = arith.index_cast %parallel_loop3A_138 : i32 to index
        %parallel_loop3A_144 = arith.constant 0 : index
        %parallel_loop3A_145 = tpu.vector_load %arg14[%parallel_loop3A_143, %parallel_loop3A_144] {strides = array<i32>} : memref<64x144xf32, #tpu.memory_space<vmem>>, vector<1x16xf32>,
        %parallel_loop3A_146 = vector.shape_cast %parallel_loop3A_145 : vector<1x16xf32> to vector<16xf32>
        %parallel_loop3A_147 = arith.addf %parallel_loop3A_142, %parallel_loop3A_146 : vector<16xf32>
        %parallel_loop3A_148 = arith.index_cast %parallel_loop3A_138 : i32 to index
        %parallel_loop3A_149 = arith.constant 0 : index
        %parallel_loop3A_150 = tpu.vector_load %arg16[%parallel_loop3A_148, %parallel_loop3A_149] {strides = array<i32>} : memref<64x128xf32, #tpu.memory_space<vmem>>, vector<1x16xf32>,
        %parallel_loop3A_151 = vector.shape_cast %parallel_loop3A_150 : vector<1x16xf32> to vector<16xf32>
        %parallel_loop3A_152 = vector.shape_cast %parallel_loop3A_147 : vector<16xf32> to vector<1x16xf32>
        tpu.vector_store %arg16[%parallel_loop3A_148, %parallel_loop3A_149], %parallel_loop3A_152 {strides = array<i32>} : memref<64x128xf32, #tpu.memory_space<vmem>>, vector<1x16xf32>,
        %parallel_loop3A_153 = arith.index_cast %parallel_loop3A_138 : i32 to index
        %parallel_loop3A_154 = arith.constant 16 : index
        %parallel_loop3A_155 = tpu.vector_load %arg12[%parallel_loop3A_153, %parallel_loop3A_154] {strides = array<i32>} : memref<64x144xf32, #tpu.memory_space<vmem>>, vector<1x16xf32>,
        %parallel_loop3A_156 = vector.shape_cast %parallel_loop3A_155 : vector<1x16xf32> to vector<16xf32>
        %parallel_loop3A_157 = arith.index_cast %parallel_loop3A_138 : i32 to index
        %parallel_loop3A_158 = arith.constant 16 : index
        %parallel_loop3A_159 = tpu.vector_load %arg14[%parallel_loop3A_157, %parallel_loop3A_158] {strides = array<i32>} : memref<64x144xf32, #tpu.memory_space<vmem>>, vector<1x16xf32>,
        %parallel_loop3A_160 = vector.shape_cast %parallel_loop3A_159 : vector<1x16xf32> to vector<16xf32>
        %parallel_loop3A_161 = arith.addf %parallel_loop3A_156, %parallel_loop3A_160 : vector<16xf32>
        %parallel_loop3A_162 = arith.index_cast %parallel_loop3A_138 : i32 to index
        %parallel_loop3A_163 = arith.constant 16 : index
        %parallel_loop3A_164 = tpu.vector_load %arg16[%parallel_loop3A_162, %parallel_loop3A_163] {strides = array<i32>} : memref<64x128xf32, #tpu.memory_space<vmem>>, vector<1x16xf32>,
        %parallel_loop3A_165 = vector.shape_cast %parallel_loop3A_164 : vector<1x16xf32> to vector<16xf32>
        %parallel_loop3A_166 = vector.shape_cast %parallel_loop3A_161 : vector<16xf32> to vector<1x16xf32>
        tpu.vector_store %arg16[%parallel_loop3A_162, %parallel_loop3A_163], %parallel_loop3A_166 {strides = array<i32>} : memref<64x128xf32, #tpu.memory_space<vmem>>, vector<1x16xf32>,
        %parallel_loop3A_167 = arith.index_cast %parallel_loop3A_138 : i32 to index
        %parallel_loop3A_168 = arith.constant 32 : index
        %parallel_loop3A_169 = tpu.vector_load %arg12[%parallel_loop3A_167, %parallel_loop3A_168] {strides = array<i32>} : memref<64x144xf32, #tpu.memory_space<vmem>>, vector<1x16xf32>,
        %parallel_loop3A_170 = vector.shape_cast %parallel_loop3A_169 : vector<1x16xf32> to vector<16xf32>
        %parallel_loop3A_171 = arith.index_cast %parallel_loop3A_138 : i32 to index
        %parallel_loop3A_172 = arith.constant 32 : index
        %parallel_loop3A_173 = tpu.vector_load %arg14[%parallel_loop3A_171, %parallel_loop3A_172] {strides = array<i32>} : memref<64x144xf32, #tpu.memory_space<vmem>>, vector<1x16xf32>,
        %parallel_loop3A_174 = vector.shape_cast %parallel_loop3A_173 : vector<1x16xf32> to vector<16xf32>
        %parallel_loop3A_175 = arith.addf %parallel_loop3A_170, %parallel_loop3A_174 : vector<16xf32>
        %parallel_loop3A_176 = arith.index_cast %parallel_loop3A_138 : i32 to index
        %parallel_loop3A_177 = arith.constant 32 : index
        %parallel_loop3A_178 = tpu.vector_load %arg16[%parallel_loop3A_176, %parallel_loop3A_177] {strides = array<i32>} : memref<64x128xf32, #tpu.memory_space<vmem>>, vector<1x16xf32>,
        %parallel_loop3A_179 = vector.shape_cast %parallel_loop3A_178 : vector<1x16xf32> to vector<16xf32>
        %parallel_loop3A_180 = vector.shape_cast %parallel_loop3A_175 : vector<16xf32> to vector<1x16xf32>
        tpu.vector_store %arg16[%parallel_loop3A_176, %parallel_loop3A_177], %parallel_loop3A_180 {strides = array<i32>} : memref<64x128xf32, #tpu.memory_space<vmem>>, vector<1x16xf32>,
        %parallel_loop3A_181 = arith.index_cast %parallel_loop3A_138 : i32 to index
        %parallel_loop3A_182 = arith.constant 48 : index
        %parallel_loop3A_183 = tpu.vector_load %arg12[%parallel_loop3A_181, %parallel_loop3A_182] {strides = array<i32>} : memref<64x144xf32, #tpu.memory_space<vmem>>, vector<1x16xf32>,
        %parallel_loop3A_184 = vector.shape_cast %parallel_loop3A_183 : vector<1x16xf32> to vector<16xf32>
        %parallel_loop3A_185 = arith.index_cast %parallel_loop3A_138 : i32 to index
        %parallel_loop3A_186 = arith.constant 48 : index
        %parallel_loop3A_187 = tpu.vector_load %arg14[%parallel_loop3A_185, %parallel_loop3A_186] {strides = array<i32>} : memref<64x144xf32, #tpu.memory_space<vmem>>, vector<1x16xf32>,
        %parallel_loop3A_188 = vector.shape_cast %parallel_loop3A_187 : vector<1x16xf32> to vector<16xf32>
        %parallel_loop3A_189 = arith.addf %parallel_loop3A_184, %parallel_loop3A_188 : vector<16xf32>
        %parallel_loop3A_190 = arith.index_cast %parallel_loop3A_138 : i32 to index
        %parallel_loop3A_191 = arith.constant 48 : index
        %parallel_loop3A_192 = tpu.vector_load %arg16[%parallel_loop3A_190, %parallel_loop3A_191] {strides = array<i32>} : memref<64x128xf32, #tpu.memory_space<vmem>>, vector<1x16xf32>,
        %parallel_loop3A_193 = vector.shape_cast %parallel_loop3A_192 : vector<1x16xf32> to vector<16xf32>
        %parallel_loop3A_194 = vector.shape_cast %parallel_loop3A_189 : vector<16xf32> to vector<1x16xf32>
        tpu.vector_store %arg16[%parallel_loop3A_190, %parallel_loop3A_191], %parallel_loop3A_194 {strides = array<i32>} : memref<64x128xf32, #tpu.memory_space<vmem>>, vector<1x16xf32>,
        %parallel_loop3A_195 = arith.index_cast %parallel_loop3A_138 : i32 to index
        %parallel_loop3A_196 = arith.constant 64 : index
        %parallel_loop3A_197 = tpu.vector_load %arg12[%parallel_loop3A_195, %parallel_loop3A_196] {strides = array<i32>} : memref<64x144xf32, #tpu.memory_space<vmem>>, vector<1x16xf32>,
        %parallel_loop3A_198 = vector.shape_cast %parallel_loop3A_197 : vector<1x16xf32> to vector<16xf32>
        %parallel_loop3A_199 = arith.index_cast %parallel_loop3A_138 : i32 to index
        %parallel_loop3A_200 = arith.constant 64 : index
        %parallel_loop3A_201 = tpu.vector_load %arg14[%parallel_loop3A_199, %parallel_loop3A_200] {strides = array<i32>} : memref<64x144xf32, #tpu.memory_space<vmem>>, vector<1x16xf32>,
        %parallel_loop3A_202 = vector.shape_cast %parallel_loop3A_201 : vector<1x16xf32> to vector<16xf32>
        %parallel_loop3A_203 = arith.addf %parallel_loop3A_198, %parallel_loop3A_202 : vector<16xf32>
        %parallel_loop3A_204 = arith.index_cast %parallel_loop3A_138 : i32 to index
        %parallel_loop3A_205 = arith.constant 64 : index
        %parallel_loop3A_206 = tpu.vector_load %arg16[%parallel_loop3A_204, %parallel_loop3A_205] {strides = array<i32>} : memref<64x128xf32, #tpu.memory_space<vmem>>, vector<1x16xf32>,
        %parallel_loop3A_207 = vector.shape_cast %parallel_loop3A_206 : vector<1x16xf32> to vector<16xf32>
        %parallel_loop3A_208 = vector.shape_cast %parallel_loop3A_203 : vector<16xf32> to vector<1x16xf32>
        tpu.vector_store %arg16[%parallel_loop3A_204, %parallel_loop3A_205], %parallel_loop3A_208 {strides = array<i32>} : memref<64x128xf32, #tpu.memory_space<vmem>>, vector<1x16xf32>,
        %parallel_loop3A_209 = arith.index_cast %parallel_loop3A_138 : i32 to index
        %parallel_loop3A_210 = arith.constant 80 : index
        %parallel_loop3A_211 = tpu.vector_load %arg12[%parallel_loop3A_209, %parallel_loop3A_210] {strides = array<i32>} : memref<64x144xf32, #tpu.memory_space<vmem>>, vector<1x16xf32>,
        %parallel_loop3A_212 = vector.shape_cast %parallel_loop3A_211 : vector<1x16xf32> to vector<16xf32>
        %parallel_loop3A_213 = arith.index_cast %parallel_loop3A_138 : i32 to index
        %parallel_loop3A_214 = arith.constant 80 : index
        %parallel_loop3A_215 = tpu.vector_load %arg14[%parallel_loop3A_213, %parallel_loop3A_214] {strides = array<i32>} : memref<64x144xf32, #tpu.memory_space<vmem>>, vector<1x16xf32>,
        %parallel_loop3A_216 = vector.shape_cast %parallel_loop3A_215 : vector<1x16xf32> to vector<16xf32>
        %parallel_loop3A_217 = arith.addf %parallel_loop3A_212, %parallel_loop3A_216 : vector<16xf32>
        %parallel_loop3A_218 = arith.index_cast %parallel_loop3A_138 : i32 to index
        %parallel_loop3A_219 = arith.constant 80 : index
        %parallel_loop3A_220 = tpu.vector_load %arg16[%parallel_loop3A_218, %parallel_loop3A_219] {strides = array<i32>} : memref<64x128xf32, #tpu.memory_space<vmem>>, vector<1x16xf32>,
        %parallel_loop3A_221 = vector.shape_cast %parallel_loop3A_220 : vector<1x16xf32> to vector<16xf32>
        %parallel_loop3A_222 = vector.shape_cast %parallel_loop3A_217 : vector<16xf32> to vector<1x16xf32>
        tpu.vector_store %arg16[%parallel_loop3A_218, %parallel_loop3A_219], %parallel_loop3A_222 {strides = array<i32>} : memref<64x128xf32, #tpu.memory_space<vmem>>, vector<1x16xf32>,
        %parallel_loop3A_223 = arith.index_cast %parallel_loop3A_138 : i32 to index
        %parallel_loop3A_224 = arith.constant 96 : index
        %parallel_loop3A_225 = tpu.vector_load %arg12[%parallel_loop3A_223, %parallel_loop3A_224] {strides = array<i32>} : memref<64x144xf32, #tpu.memory_space<vmem>>, vector<1x16xf32>,
        %parallel_loop3A_226 = vector.shape_cast %parallel_loop3A_225 : vector<1x16xf32> to vector<16xf32>
        %parallel_loop3A_227 = arith.index_cast %parallel_loop3A_138 : i32 to index
        %parallel_loop3A_228 = arith.constant 96 : index
        %parallel_loop3A_229 = tpu.vector_load %arg14[%parallel_loop3A_227, %parallel_loop3A_228] {strides = array<i32>} : memref<64x144xf32, #tpu.memory_space<vmem>>, vector<1x16xf32>,
        %parallel_loop3A_230 = vector.shape_cast %parallel_loop3A_229 : vector<1x16xf32> to vector<16xf32>
        %parallel_loop3A_231 = arith.addf %parallel_loop3A_226, %parallel_loop3A_230 : vector<16xf32>
        %parallel_loop3A_232 = arith.index_cast %parallel_loop3A_138 : i32 to index
        %parallel_loop3A_233 = arith.constant 96 : index
        %parallel_loop3A_234 = tpu.vector_load %arg16[%parallel_loop3A_232, %parallel_loop3A_233] {strides = array<i32>} : memref<64x128xf32, #tpu.memory_space<vmem>>, vector<1x16xf32>,
        %parallel_loop3A_235 = vector.shape_cast %parallel_loop3A_234 : vector<1x16xf32> to vector<16xf32>
        %parallel_loop3A_236 = vector.shape_cast %parallel_loop3A_231 : vector<16xf32> to vector<1x16xf32>
        tpu.vector_store %arg16[%parallel_loop3A_232, %parallel_loop3A_233], %parallel_loop3A_236 {strides = array<i32>} : memref<64x128xf32, #tpu.memory_space<vmem>>, vector<1x16xf32>,
        %parallel_loop3A_237 = arith.index_cast %parallel_loop3A_138 : i32 to index
        %parallel_loop3A_238 = arith.constant 112 : index
        %parallel_loop3A_239 = tpu.vector_load %arg12[%parallel_loop3A_237, %parallel_loop3A_238] {strides = array<i32>} : memref<64x144xf32, #tpu.memory_space<vmem>>, vector<1x16xf32>,
        %parallel_loop3A_240 = vector.shape_cast %parallel_loop3A_239 : vector<1x16xf32> to vector<16xf32>
        %parallel_loop3A_241 = arith.index_cast %parallel_loop3A_138 : i32 to index
        %parallel_loop3A_242 = arith.constant 112 : index
        %parallel_loop3A_243 = tpu.vector_load %arg14[%parallel_loop3A_241, %parallel_loop3A_242] {strides = array<i32>} : memref<64x144xf32, #tpu.memory_space<vmem>>, vector<1x16xf32>,
        %parallel_loop3A_244 = vector.shape_cast %parallel_loop3A_243 : vector<1x16xf32> to vector<16xf32>
        %parallel_loop3A_245 = arith.addf %parallel_loop3A_240, %parallel_loop3A_244 : vector<16xf32>
        %parallel_loop3A_246 = arith.index_cast %parallel_loop3A_138 : i32 to index
        %parallel_loop3A_247 = arith.constant 112 : index
        %parallel_loop3A_248 = tpu.vector_load %arg16[%parallel_loop3A_246, %parallel_loop3A_247] {strides = array<i32>} : memref<64x128xf32, #tpu.memory_space<vmem>>, vector<1x16xf32>,
        %parallel_loop3A_249 = vector.shape_cast %parallel_loop3A_248 : vector<1x16xf32> to vector<16xf32>
        %parallel_loop3A_250 = vector.shape_cast %parallel_loop3A_245 : vector<16xf32> to vector<1x16xf32>
        tpu.vector_store %arg16[%parallel_loop3A_246, %parallel_loop3A_247], %parallel_loop3A_250 {strides = array<i32>} : memref<64x128xf32, #tpu.memory_space<vmem>>, vector<1x16xf32>,
        %parallel_loop3A_251 = arith.index_cast %parallel_loop3A_138 : i32 to index
        %parallel_loop3A_252 = arith.constant 128 : index
        %parallel_loop3A_253 = tpu.vector_load %arg12[%parallel_loop3A_251, %parallel_loop3A_252] {strides = array<i32>} : memref<64x144xf32, #tpu.memory_space<vmem>>, vector<1x16xf32>,
        %parallel_loop3A_254 = vector.shape_cast %parallel_loop3A_253 : vector<1x16xf32> to vector<16xf32>
        %parallel_loop3A_255 = arith.index_cast %parallel_loop3A_138 : i32 to index
        %parallel_loop3A_256 = arith.constant 128 : index
        %parallel_loop3A_257 = tpu.vector_load %arg14[%parallel_loop3A_255, %parallel_loop3A_256] {strides = array<i32>} : memref<64x144xf32, #tpu.memory_space<vmem>>, vector<1x16xf32>,
        %parallel_loop3A_258 = vector.shape_cast %parallel_loop3A_257 : vector<1x16xf32> to vector<16xf32>
        %parallel_loop3A_259 = arith.addf %parallel_loop3A_254, %parallel_loop3A_258 : vector<16xf32>
        %parallel_loop3A_260 = arith.index_cast %parallel_loop3A_138 : i32 to index
        %parallel_loop3A_261 = arith.constant 0 : index
        %parallel_loop3A_262 = tpu.vector_load %arg18[%parallel_loop3A_260, %parallel_loop3A_261] {strides = array<i32>} : memref<64x16xf32, #tpu.memory_space<vmem>>, vector<1x16xf32>,
        %parallel_loop3A_263 = vector.shape_cast %parallel_loop3A_262 : vector<1x16xf32> to vector<16xf32>
        %parallel_loop3A_264 = vector.shape_cast %parallel_loop3A_259 : vector<16xf32> to vector<1x16xf32>
        tpu.vector_store %arg18[%parallel_loop3A_260, %parallel_loop3A_261], %parallel_loop3A_264 {strides = array<i32>} : memref<64x16xf32, #tpu.memory_space<vmem>>, vector<1x16xf32>,
      } {sc.loop_unroll_factor = 2 : i64, sc.parallel_access}
      %mul3A_84 = arith.constant 64 : i32
      %mul3A_85 = arith.muli %add3A_60, %mul3A_84 : i32
      %add3A_86 = arith.addi %mul3A_2, %mul3A_85 : i32
      %dma_start3A_87 = arith.constant 0 : i32
      %dma_start3A_88 = tpu.memref_slice %arg6[%add3A_86, %dma_start3A_87] : memref<323584x128xf32, #tpu.memory_space<hbm>> -> memref<64x128xf32, #tpu.memory_space<hbm>>
      %dma_start3A_89 = arith.constant 0 : i32
      %dma_start3A_90 = tpu.memref_slice %arg6[%add3A_86, %dma_start3A_89] : memref<323584x128xf32, #tpu.memory_space<hbm>> -> memref<64x128xf32, #tpu.memory_space<hbm>>
      tpu.enqueue_dma source(%arg16 : memref<64x128xf32, #tpu.memory_space<vmem>>) target(%dma_start3A_90 : memref<64x128xf32, #tpu.memory_space<hbm>>) target_semaphore(%arg24 : memref<!tpu.dma_semaphore, #tpu.memory_space<semaphore_mem>>)
      %dma_start3A_91 = arith.constant 0 : i32
      %dma_start3A_92 = tpu.memref_slice %arg7[%add3A_86, %dma_start3A_91] : memref<323584x16xf32, #tpu.memory_space<hbm>> -> memref<64x16xf32, #tpu.memory_space<hbm>>
      %dma_start3A_93 = arith.constant 0 : i32
      %dma_start3A_94 = tpu.memref_slice %arg7[%add3A_86, %dma_start3A_93] : memref<323584x16xf32, #tpu.memory_space<hbm>> -> memref<64x16xf32, #tpu.memory_space<hbm>>
      tpu.enqueue_dma source(%arg18 : memref<64x16xf32, #tpu.memory_space<vmem>>) target(%dma_start3A_94 : memref<64x16xf32, #tpu.memory_space<hbm>>) target_semaphore(%arg24 : memref<!tpu.dma_semaphore, #tpu.memory_space<semaphore_mem>>)
      %mul3A_95 = arith.constant 2 : i32
      %mul3A_96 = arith.muli %scan3A_56, %mul3A_95 : i32
      %add3A_97 = arith.constant 1 : i32
      %add3A_98 = arith.addi %mul3A_96, %add3A_97 : i32
      %dma_wait3A_99 = arith.constant 0 : i32
      %dma_wait3A_100 = arith.constant 0 : i32
      %dma_wait3A_101 = tpu.memref_slice %arg2[%dma_wait3A_99, %dma_wait3A_100] : memref<10000x144xf32, #tpu.memory_space<hbm>> -> memref<10000x144xf32, #tpu.memory_space<hbm>>
      tpu.wait_indirect_dma semaphore(%arg23 : memref<!tpu.dma_semaphore, #tpu.memory_space<semaphore_mem>>) src(%dma_wait3A_101 : memref<10000x144xf32, #tpu.memory_space<hbm>>) dst(%arg13 : memref<64x144xf32, #tpu.memory_space<vmem>>)
      %dma_wait3A_102 = arith.constant 0 : i32
      %dma_wait3A_103 = arith.constant 0 : i32
      %dma_wait3A_104 = tpu.memref_slice %arg3[%dma_wait3A_102, %dma_wait3A_103] : memref<10000x144xf32, #tpu.memory_space<hbm>> -> memref<10000x144xf32, #tpu.memory_space<hbm>>
      tpu.wait_indirect_dma semaphore(%arg23 : memref<!tpu.dma_semaphore, #tpu.memory_space<semaphore_mem>>) src(%dma_wait3A_104 : memref<10000x144xf32, #tpu.memory_space<hbm>>) dst(%arg15 : memref<64x144xf32, #tpu.memory_space<vmem>>)
      %add3A_105 = arith.constant 2 : i32
      %add3A_106 = arith.addi %add3A_98, %add3A_105 : i32
      %lt3A_107 = arith.constant 158 : i32
      %lt3A_108 = arith.cmpi slt, %add3A_106, %lt3A_107 : i32
      %convert_element_type3A_109 = arith.extui %lt3A_108 : i1 to i32
      %cond3A_110 = arith.constant 0 : i32
      %cond3A_111 = arith.cmpi ne, %convert_element_type3A_109, %cond3A_110 : i32
      scf.if %cond3A_111 {
        %add3A_138 = arith.constant 2 : i32
        %add3A_139 = arith.addi %add3A_98, %add3A_138 : i32
        %mul3A_140 = arith.constant 64 : i32
        %mul3A_141 = arith.muli %add3A_139, %mul3A_140 : i32
        %add3A_142 = arith.addi %mul3A_2, %mul3A_141 : i32
        %dma_start3A_143 = tpu.memref_slice %arg4[%add3A_142] : memref<323584xi32, #tpu.memory_space<hbm>> -> memref<64xi32, #tpu.memory_space<hbm>>
        %dma_start3A_144 = tpu.memref_slice %arg4[%add3A_142] : memref<323584xi32, #tpu.memory_space<hbm>> -> memref<64xi32, #tpu.memory_space<hbm>>
        tpu.enqueue_dma source(%dma_start3A_144 : memref<64xi32, #tpu.memory_space<hbm>>) target(%arg9 : memref<64xi32, #tpu.memory_space<vmem>>) target_semaphore(%arg21 : memref<!tpu.dma_semaphore, #tpu.memory_space<semaphore_mem>>)
        %dma_start3A_145 = tpu.memref_slice %arg5[%add3A_142] : memref<323584xi32, #tpu.memory_space<hbm>> -> memref<64xi32, #tpu.memory_space<hbm>>
        %dma_start3A_146 = tpu.memref_slice %arg5[%add3A_142] : memref<323584xi32, #tpu.memory_space<hbm>> -> memref<64xi32, #tpu.memory_space<hbm>>
        tpu.enqueue_dma source(%dma_start3A_146 : memref<64xi32, #tpu.memory_space<hbm>>) target(%arg11 : memref<64xi32, #tpu.memory_space<vmem>>) target_semaphore(%arg21 : memref<!tpu.dma_semaphore, #tpu.memory_space<semaphore_mem>>)
      } else {
      }
      %add3A_112 = arith.constant 1 : i32
      %add3A_113 = arith.addi %add3A_98, %add3A_112 : i32
      %lt3A_114 = arith.constant 158 : i32
      %lt3A_115 = arith.cmpi slt, %add3A_113, %lt3A_114 : i32
      %convert_element_type3A_116 = arith.extui %lt3A_115 : i1 to i32
      %cond3A_117 = arith.constant 0 : i32
      %cond3A_118 = arith.cmpi ne, %convert_element_type3A_116, %cond3A_117 : i32
      scf.if %cond3A_118 {
        %dma_wait3A_138 = arith.constant 0 : i32
        %dma_wait3A_139 = tpu.memref_slice %arg4[%dma_wait3A_138] : memref<323584xi32, #tpu.memory_space<hbm>> -> memref<64xi32, #tpu.memory_space<hbm>>
        %dma_wait3A_140 = arith.constant 0 : i32
        %dma_wait3A_141 = tpu.memref_slice %arg4[%dma_wait3A_140] : memref<323584xi32, #tpu.memory_space<hbm>> -> memref<64xi32, #tpu.memory_space<hbm>>
        tpu.wait_dma2 semaphore(%arg20 : memref<!tpu.dma_semaphore, #tpu.memory_space<semaphore_mem>>) src(%dma_wait3A_141 : memref<64xi32, #tpu.memory_space<hbm>>) dst(%arg8 : memref<64xi32, #tpu.memory_space<vmem>>)
        %dma_wait3A_142 = arith.constant 0 : i32
        %dma_wait3A_143 = tpu.memref_slice %arg5[%dma_wait3A_142] : memref<323584xi32, #tpu.memory_space<hbm>> -> memref<64xi32, #tpu.memory_space<hbm>>
        %dma_wait3A_144 = arith.constant 0 : i32
        %dma_wait3A_145 = tpu.memref_slice %arg5[%dma_wait3A_144] : memref<323584xi32, #tpu.memory_space<hbm>> -> memref<64xi32, #tpu.memory_space<hbm>>
        tpu.wait_dma2 semaphore(%arg20 : memref<!tpu.dma_semaphore, #tpu.memory_space<semaphore_mem>>) src(%dma_wait3A_145 : memref<64xi32, #tpu.memory_space<hbm>>) dst(%arg10 : memref<64xi32, #tpu.memory_space<vmem>>)
        %dma_start3A_146 = arith.constant 0 : i32
        %dma_start3A_147 = arith.constant 0 : i32
        %dma_start3A_148 = tpu.memref_slice %arg2[%dma_start3A_146, %dma_start3A_147] : memref<10000x144xf32, #tpu.memory_space<hbm>> -> memref<10000x144xf32, #tpu.memory_space<hbm>>
        tpu.enqueue_indirect_dma source(%dma_start3A_148 : memref<10000x144xf32, #tpu.memory_space<hbm>>) target(%arg12 : memref<64x144xf32, #tpu.memory_space<vmem>>) offsets(%arg8 : memref<64xi32, #tpu.memory_space<vmem>>) semaphore(%arg22 : memref<!tpu.dma_semaphore, #tpu.memory_space<semaphore_mem>>)
        %dma_start3A_149 = arith.constant 0 : i32
        %dma_start3A_150 = arith.constant 0 : i32
        %dma_start3A_151 = tpu.memref_slice %arg3[%dma_start3A_149, %dma_start3A_150] : memref<10000x144xf32, #tpu.memory_space<hbm>> -> memref<10000x144xf32, #tpu.memory_space<hbm>>
        tpu.enqueue_indirect_dma source(%dma_start3A_151 : memref<10000x144xf32, #tpu.memory_space<hbm>>) target(%arg14 : memref<64x144xf32, #tpu.memory_space<vmem>>) offsets(%arg10 : memref<64xi32, #tpu.memory_space<vmem>>) semaphore(%arg22 : memref<!tpu.dma_semaphore, #tpu.memory_space<semaphore_mem>>)
      } else {
      }
      %ge3A_119 = arith.constant 2 : i32
      %ge3A_120 = arith.cmpi sge, %add3A_98, %ge3A_119 : i32
      %convert_element_type3A_121 = arith.extui %ge3A_120 : i1 to i32
      %cond3A_122 = arith.constant 0 : i32
      %cond3A_123 = arith.cmpi ne, %convert_element_type3A_121, %cond3A_122 : i32
      scf.if %cond3A_123 {
        %dma_wait3A_138 = arith.constant 0 : i32
        %dma_wait3A_139 = arith.constant 0 : i32
        %dma_wait3A_140 = tpu.memref_slice %arg6[%dma_wait3A_138, %dma_wait3A_139] : memref<323584x128xf32, #tpu.memory_space<hbm>> -> memref<64x128xf32, #tpu.memory_space<hbm>>
        %dma_wait3A_141 = arith.constant 0 : i32
        %dma_wait3A_142 = arith.constant 0 : i32
        %dma_wait3A_143 = tpu.memref_slice %arg6[%dma_wait3A_141, %dma_wait3A_142] : memref<323584x128xf32, #tpu.memory_space<hbm>> -> memref<64x128xf32, #tpu.memory_space<hbm>>
        tpu.wait_dma2 semaphore(%arg25 : memref<!tpu.dma_semaphore, #tpu.memory_space<semaphore_mem>>) src(%arg17 : memref<64x128xf32, #tpu.memory_space<vmem>>) dst(%dma_wait3A_143 : memref<64x128xf32, #tpu.memory_space<hbm>>)
        %dma_wait3A_144 = arith.constant 0 : i32
        %dma_wait3A_145 = arith.constant 0 : i32
        %dma_wait3A_146 = tpu.memref_slice %arg7[%dma_wait3A_144, %dma_wait3A_145] : memref<323584x16xf32, #tpu.memory_space<hbm>> -> memref<64x16xf32, #tpu.memory_space<hbm>>
        %dma_wait3A_147 = arith.constant 0 : i32
        %dma_wait3A_148 = arith.constant 0 : i32
        %dma_wait3A_149 = tpu.memref_slice %arg7[%dma_wait3A_147, %dma_wait3A_148] : memref<323584x16xf32, #tpu.memory_space<hbm>> -> memref<64x16xf32, #tpu.memory_space<hbm>>
        tpu.wait_dma2 semaphore(%arg25 : memref<!tpu.dma_semaphore, #tpu.memory_space<semaphore_mem>>) src(%arg19 : memref<64x16xf32, #tpu.memory_space<vmem>>) dst(%dma_wait3A_149 : memref<64x16xf32, #tpu.memory_space<hbm>>)
      } else {
      }
      %parallel_loop3A_124 = arith.constant 0 : i32
      %parallel_loop3A_125 = arith.constant 64 : i32
      %parallel_loop3A_126 = arith.constant 1 : i32
      scf.for %parallel_loop3A_138 = %parallel_loop3A_124 to %parallel_loop3A_125 step %parallel_loop3A_126  : i32 {
        %parallel_loop3A_139 = arith.index_cast %parallel_loop3A_138 : i32 to index
        %parallel_loop3A_140 = arith.constant 0 : index
        %parallel_loop3A_141 = tpu.vector_load %arg13[%parallel_loop3A_139, %parallel_loop3A_140] {strides = array<i32>} : memref<64x144xf32, #tpu.memory_space<vmem>>, vector<1x16xf32>,
        %parallel_loop3A_142 = vector.shape_cast %parallel_loop3A_141 : vector<1x16xf32> to vector<16xf32>
        %parallel_loop3A_143 = arith.index_cast %parallel_loop3A_138 : i32 to index
        %parallel_loop3A_144 = arith.constant 0 : index
        %parallel_loop3A_145 = tpu.vector_load %arg15[%parallel_loop3A_143, %parallel_loop3A_144] {strides = array<i32>} : memref<64x144xf32, #tpu.memory_space<vmem>>, vector<1x16xf32>,
        %parallel_loop3A_146 = vector.shape_cast %parallel_loop3A_145 : vector<1x16xf32> to vector<16xf32>
        %parallel_loop3A_147 = arith.addf %parallel_loop3A_142, %parallel_loop3A_146 : vector<16xf32>
        %parallel_loop3A_148 = arith.index_cast %parallel_loop3A_138 : i32 to index
        %parallel_loop3A_149 = arith.constant 0 : index
        %parallel_loop3A_150 = tpu.vector_load %arg17[%parallel_loop3A_148, %parallel_loop3A_149] {strides = array<i32>} : memref<64x128xf32, #tpu.memory_space<vmem>>, vector<1x16xf32>,
        %parallel_loop3A_151 = vector.shape_cast %parallel_loop3A_150 : vector<1x16xf32> to vector<16xf32>
        %parallel_loop3A_152 = vector.shape_cast %parallel_loop3A_147 : vector<16xf32> to vector<1x16xf32>
        tpu.vector_store %arg17[%parallel_loop3A_148, %parallel_loop3A_149], %parallel_loop3A_152 {strides = array<i32>} : memref<64x128xf32, #tpu.memory_space<vmem>>, vector<1x16xf32>,
        %parallel_loop3A_153 = arith.index_cast %parallel_loop3A_138 : i32 to index
        %parallel_loop3A_154 = arith.constant 16 : index
        %parallel_loop3A_155 = tpu.vector_load %arg13[%parallel_loop3A_153, %parallel_loop3A_154] {strides = array<i32>} : memref<64x144xf32, #tpu.memory_space<vmem>>, vector<1x16xf32>,
        %parallel_loop3A_156 = vector.shape_cast %parallel_loop3A_155 : vector<1x16xf32> to vector<16xf32>
        %parallel_loop3A_157 = arith.index_cast %parallel_loop3A_138 : i32 to index
        %parallel_loop3A_158 = arith.constant 16 : index
        %parallel_loop3A_159 = tpu.vector_load %arg15[%parallel_loop3A_157, %parallel_loop3A_158] {strides = array<i32>} : memref<64x144xf32, #tpu.memory_space<vmem>>, vector<1x16xf32>,
        %parallel_loop3A_160 = vector.shape_cast %parallel_loop3A_159 : vector<1x16xf32> to vector<16xf32>
        %parallel_loop3A_161 = arith.addf %parallel_loop3A_156, %parallel_loop3A_160 : vector<16xf32>
        %parallel_loop3A_162 = arith.index_cast %parallel_loop3A_138 : i32 to index
        %parallel_loop3A_163 = arith.constant 16 : index
        %parallel_loop3A_164 = tpu.vector_load %arg17[%parallel_loop3A_162, %parallel_loop3A_163] {strides = array<i32>} : memref<64x128xf32, #tpu.memory_space<vmem>>, vector<1x16xf32>,
        %parallel_loop3A_165 = vector.shape_cast %parallel_loop3A_164 : vector<1x16xf32> to vector<16xf32>
        %parallel_loop3A_166 = vector.shape_cast %parallel_loop3A_161 : vector<16xf32> to vector<1x16xf32>
        tpu.vector_store %arg17[%parallel_loop3A_162, %parallel_loop3A_163], %parallel_loop3A_166 {strides = array<i32>} : memref<64x128xf32, #tpu.memory_space<vmem>>, vector<1x16xf32>,
        %parallel_loop3A_167 = arith.index_cast %parallel_loop3A_138 : i32 to index
        %parallel_loop3A_168 = arith.constant 32 : index
        %parallel_loop3A_169 = tpu.vector_load %arg13[%parallel_loop3A_167, %parallel_loop3A_168] {strides = array<i32>} : memref<64x144xf32, #tpu.memory_space<vmem>>, vector<1x16xf32>,
        %parallel_loop3A_170 = vector.shape_cast %parallel_loop3A_169 : vector<1x16xf32> to vector<16xf32>
        %parallel_loop3A_171 = arith.index_cast %parallel_loop3A_138 : i32 to index
        %parallel_loop3A_172 = arith.constant 32 : index
        %parallel_loop3A_173 = tpu.vector_load %arg15[%parallel_loop3A_171, %parallel_loop3A_172] {strides = array<i32>} : memref<64x144xf32, #tpu.memory_space<vmem>>, vector<1x16xf32>,
        %parallel_loop3A_174 = vector.shape_cast %parallel_loop3A_173 : vector<1x16xf32> to vector<16xf32>
        %parallel_loop3A_175 = arith.addf %parallel_loop3A_170, %parallel_loop3A_174 : vector<16xf32>
        %parallel_loop3A_176 = arith.index_cast %parallel_loop3A_138 : i32 to index
        %parallel_loop3A_177 = arith.constant 32 : index
        %parallel_loop3A_178 = tpu.vector_load %arg17[%parallel_loop3A_176, %parallel_loop3A_177] {strides = array<i32>} : memref<64x128xf32, #tpu.memory_space<vmem>>, vector<1x16xf32>,
        %parallel_loop3A_179 = vector.shape_cast %parallel_loop3A_178 : vector<1x16xf32> to vector<16xf32>
        %parallel_loop3A_180 = vector.shape_cast %parallel_loop3A_175 : vector<16xf32> to vector<1x16xf32>
        tpu.vector_store %arg17[%parallel_loop3A_176, %parallel_loop3A_177], %parallel_loop3A_180 {strides = array<i32>} : memref<64x128xf32, #tpu.memory_space<vmem>>, vector<1x16xf32>,
        %parallel_loop3A_181 = arith.index_cast %parallel_loop3A_138 : i32 to index
        %parallel_loop3A_182 = arith.constant 48 : index
        %parallel_loop3A_183 = tpu.vector_load %arg13[%parallel_loop3A_181, %parallel_loop3A_182] {strides = array<i32>} : memref<64x144xf32, #tpu.memory_space<vmem>>, vector<1x16xf32>,
        %parallel_loop3A_184 = vector.shape_cast %parallel_loop3A_183 : vector<1x16xf32> to vector<16xf32>
        %parallel_loop3A_185 = arith.index_cast %parallel_loop3A_138 : i32 to index
        %parallel_loop3A_186 = arith.constant 48 : index
        %parallel_loop3A_187 = tpu.vector_load %arg15[%parallel_loop3A_185, %parallel_loop3A_186] {strides = array<i32>} : memref<64x144xf32, #tpu.memory_space<vmem>>, vector<1x16xf32>,
        %parallel_loop3A_188 = vector.shape_cast %parallel_loop3A_187 : vector<1x16xf32> to vector<16xf32>
        %parallel_loop3A_189 = arith.addf %parallel_loop3A_184, %parallel_loop3A_188 : vector<16xf32>
        %parallel_loop3A_190 = arith.index_cast %parallel_loop3A_138 : i32 to index
        %parallel_loop3A_191 = arith.constant 48 : index
        %parallel_loop3A_192 = tpu.vector_load %arg17[%parallel_loop3A_190, %parallel_loop3A_191] {strides = array<i32>} : memref<64x128xf32, #tpu.memory_space<vmem>>, vector<1x16xf32>,
        %parallel_loop3A_193 = vector.shape_cast %parallel_loop3A_192 : vector<1x16xf32> to vector<16xf32>
        %parallel_loop3A_194 = vector.shape_cast %parallel_loop3A_189 : vector<16xf32> to vector<1x16xf32>
        tpu.vector_store %arg17[%parallel_loop3A_190, %parallel_loop3A_191], %parallel_loop3A_194 {strides = array<i32>} : memref<64x128xf32, #tpu.memory_space<vmem>>, vector<1x16xf32>,
        %parallel_loop3A_195 = arith.index_cast %parallel_loop3A_138 : i32 to index
        %parallel_loop3A_196 = arith.constant 64 : index
        %parallel_loop3A_197 = tpu.vector_load %arg13[%parallel_loop3A_195, %parallel_loop3A_196] {strides = array<i32>} : memref<64x144xf32, #tpu.memory_space<vmem>>, vector<1x16xf32>,
        %parallel_loop3A_198 = vector.shape_cast %parallel_loop3A_197 : vector<1x16xf32> to vector<16xf32>
        %parallel_loop3A_199 = arith.index_cast %parallel_loop3A_138 : i32 to index
        %parallel_loop3A_200 = arith.constant 64 : index
        %parallel_loop3A_201 = tpu.vector_load %arg15[%parallel_loop3A_199, %parallel_loop3A_200] {strides = array<i32>} : memref<64x144xf32, #tpu.memory_space<vmem>>, vector<1x16xf32>,
        %parallel_loop3A_202 = vector.shape_cast %parallel_loop3A_201 : vector<1x16xf32> to vector<16xf32>
        %parallel_loop3A_203 = arith.addf %parallel_loop3A_198, %parallel_loop3A_202 : vector<16xf32>
        %parallel_loop3A_204 = arith.index_cast %parallel_loop3A_138 : i32 to index
        %parallel_loop3A_205 = arith.constant 64 : index
        %parallel_loop3A_206 = tpu.vector_load %arg17[%parallel_loop3A_204, %parallel_loop3A_205] {strides = array<i32>} : memref<64x128xf32, #tpu.memory_space<vmem>>, vector<1x16xf32>,
        %parallel_loop3A_207 = vector.shape_cast %parallel_loop3A_206 : vector<1x16xf32> to vector<16xf32>
        %parallel_loop3A_208 = vector.shape_cast %parallel_loop3A_203 : vector<16xf32> to vector<1x16xf32>
        tpu.vector_store %arg17[%parallel_loop3A_204, %parallel_loop3A_205], %parallel_loop3A_208 {strides = array<i32>} : memref<64x128xf32, #tpu.memory_space<vmem>>, vector<1x16xf32>,
        %parallel_loop3A_209 = arith.index_cast %parallel_loop3A_138 : i32 to index
        %parallel_loop3A_210 = arith.constant 80 : index
        %parallel_loop3A_211 = tpu.vector_load %arg13[%parallel_loop3A_209, %parallel_loop3A_210] {strides = array<i32>} : memref<64x144xf32, #tpu.memory_space<vmem>>, vector<1x16xf32>,
        %parallel_loop3A_212 = vector.shape_cast %parallel_loop3A_211 : vector<1x16xf32> to vector<16xf32>
        %parallel_loop3A_213 = arith.index_cast %parallel_loop3A_138 : i32 to index
        %parallel_loop3A_214 = arith.constant 80 : index
        %parallel_loop3A_215 = tpu.vector_load %arg15[%parallel_loop3A_213, %parallel_loop3A_214] {strides = array<i32>} : memref<64x144xf32, #tpu.memory_space<vmem>>, vector<1x16xf32>,
        %parallel_loop3A_216 = vector.shape_cast %parallel_loop3A_215 : vector<1x16xf32> to vector<16xf32>
        %parallel_loop3A_217 = arith.addf %parallel_loop3A_212, %parallel_loop3A_216 : vector<16xf32>
        %parallel_loop3A_218 = arith.index_cast %parallel_loop3A_138 : i32 to index
        %parallel_loop3A_219 = arith.constant 80 : index
        %parallel_loop3A_220 = tpu.vector_load %arg17[%parallel_loop3A_218, %parallel_loop3A_219] {strides = array<i32>} : memref<64x128xf32, #tpu.memory_space<vmem>>, vector<1x16xf32>,
        %parallel_loop3A_221 = vector.shape_cast %parallel_loop3A_220 : vector<1x16xf32> to vector<16xf32>
        %parallel_loop3A_222 = vector.shape_cast %parallel_loop3A_217 : vector<16xf32> to vector<1x16xf32>
        tpu.vector_store %arg17[%parallel_loop3A_218, %parallel_loop3A_219], %parallel_loop3A_222 {strides = array<i32>} : memref<64x128xf32, #tpu.memory_space<vmem>>, vector<1x16xf32>,
        %parallel_loop3A_223 = arith.index_cast %parallel_loop3A_138 : i32 to index
        %parallel_loop3A_224 = arith.constant 96 : index
        %parallel_loop3A_225 = tpu.vector_load %arg13[%parallel_loop3A_223, %parallel_loop3A_224] {strides = array<i32>} : memref<64x144xf32, #tpu.memory_space<vmem>>, vector<1x16xf32>,
        %parallel_loop3A_226 = vector.shape_cast %parallel_loop3A_225 : vector<1x16xf32> to vector<16xf32>
        %parallel_loop3A_227 = arith.index_cast %parallel_loop3A_138 : i32 to index
        %parallel_loop3A_228 = arith.constant 96 : index
        %parallel_loop3A_229 = tpu.vector_load %arg15[%parallel_loop3A_227, %parallel_loop3A_228] {strides = array<i32>} : memref<64x144xf32, #tpu.memory_space<vmem>>, vector<1x16xf32>,
        %parallel_loop3A_230 = vector.shape_cast %parallel_loop3A_229 : vector<1x16xf32> to vector<16xf32>
        %parallel_loop3A_231 = arith.addf %parallel_loop3A_226, %parallel_loop3A_230 : vector<16xf32>
        %parallel_loop3A_232 = arith.index_cast %parallel_loop3A_138 : i32 to index
        %parallel_loop3A_233 = arith.constant 96 : index
        %parallel_loop3A_234 = tpu.vector_load %arg17[%parallel_loop3A_232, %parallel_loop3A_233] {strides = array<i32>} : memref<64x128xf32, #tpu.memory_space<vmem>>, vector<1x16xf32>,
        %parallel_loop3A_235 = vector.shape_cast %parallel_loop3A_234 : vector<1x16xf32> to vector<16xf32>
        %parallel_loop3A_236 = vector.shape_cast %parallel_loop3A_231 : vector<16xf32> to vector<1x16xf32>
        tpu.vector_store %arg17[%parallel_loop3A_232, %parallel_loop3A_233], %parallel_loop3A_236 {strides = array<i32>} : memref<64x128xf32, #tpu.memory_space<vmem>>, vector<1x16xf32>,
        %parallel_loop3A_237 = arith.index_cast %parallel_loop3A_138 : i32 to index
        %parallel_loop3A_238 = arith.constant 112 : index
        %parallel_loop3A_239 = tpu.vector_load %arg13[%parallel_loop3A_237, %parallel_loop3A_238] {strides = array<i32>} : memref<64x144xf32, #tpu.memory_space<vmem>>, vector<1x16xf32>,
        %parallel_loop3A_240 = vector.shape_cast %parallel_loop3A_239 : vector<1x16xf32> to vector<16xf32>
        %parallel_loop3A_241 = arith.index_cast %parallel_loop3A_138 : i32 to index
        %parallel_loop3A_242 = arith.constant 112 : index
        %parallel_loop3A_243 = tpu.vector_load %arg15[%parallel_loop3A_241, %parallel_loop3A_242] {strides = array<i32>} : memref<64x144xf32, #tpu.memory_space<vmem>>, vector<1x16xf32>,
        %parallel_loop3A_244 = vector.shape_cast %parallel_loop3A_243 : vector<1x16xf32> to vector<16xf32>
        %parallel_loop3A_245 = arith.addf %parallel_loop3A_240, %parallel_loop3A_244 : vector<16xf32>
        %parallel_loop3A_246 = arith.index_cast %parallel_loop3A_138 : i32 to index
        %parallel_loop3A_247 = arith.constant 112 : index
        %parallel_loop3A_248 = tpu.vector_load %arg17[%parallel_loop3A_246, %parallel_loop3A_247] {strides = array<i32>} : memref<64x128xf32, #tpu.memory_space<vmem>>, vector<1x16xf32>,
        %parallel_loop3A_249 = vector.shape_cast %parallel_loop3A_248 : vector<1x16xf32> to vector<16xf32>
        %parallel_loop3A_250 = vector.shape_cast %parallel_loop3A_245 : vector<16xf32> to vector<1x16xf32>
        tpu.vector_store %arg17[%parallel_loop3A_246, %parallel_loop3A_247], %parallel_loop3A_250 {strides = array<i32>} : memref<64x128xf32, #tpu.memory_space<vmem>>, vector<1x16xf32>,
        %parallel_loop3A_251 = arith.index_cast %parallel_loop3A_138 : i32 to index
        %parallel_loop3A_252 = arith.constant 128 : index
        %parallel_loop3A_253 = tpu.vector_load %arg13[%parallel_loop3A_251, %parallel_loop3A_252] {strides = array<i32>} : memref<64x144xf32, #tpu.memory_space<vmem>>, vector<1x16xf32>,
        %parallel_loop3A_254 = vector.shape_cast %parallel_loop3A_253 : vector<1x16xf32> to vector<16xf32>
        %parallel_loop3A_255 = arith.index_cast %parallel_loop3A_138 : i32 to index
        %parallel_loop3A_256 = arith.constant 128 : index
        %parallel_loop3A_257 = tpu.vector_load %arg15[%parallel_loop3A_255, %parallel_loop3A_256] {strides = array<i32>} : memref<64x144xf32, #tpu.memory_space<vmem>>, vector<1x16xf32>,
        %parallel_loop3A_258 = vector.shape_cast %parallel_loop3A_257 : vector<1x16xf32> to vector<16xf32>
        %parallel_loop3A_259 = arith.addf %parallel_loop3A_254, %parallel_loop3A_258 : vector<16xf32>
        %parallel_loop3A_260 = arith.index_cast %parallel_loop3A_138 : i32 to index
        %parallel_loop3A_261 = arith.constant 0 : index
        %parallel_loop3A_262 = tpu.vector_load %arg19[%parallel_loop3A_260, %parallel_loop3A_261] {strides = array<i32>} : memref<64x16xf32, #tpu.memory_space<vmem>>, vector<1x16xf32>,
        %parallel_loop3A_263 = vector.shape_cast %parallel_loop3A_262 : vector<1x16xf32> to vector<16xf32>
        %parallel_loop3A_264 = vector.shape_cast %parallel_loop3A_259 : vector<16xf32> to vector<1x16xf32>
        tpu.vector_store %arg19[%parallel_loop3A_260, %parallel_loop3A_261], %parallel_loop3A_264 {strides = array<i32>} : memref<64x16xf32, #tpu.memory_space<vmem>>, vector<1x16xf32>,
      } {sc.loop_unroll_factor = 2 : i64, sc.parallel_access}
      %mul3A_127 = arith.constant 64 : i32
      %mul3A_128 = arith.muli %add3A_98, %mul3A_127 : i32
      %add3A_129 = arith.addi %mul3A_2, %mul3A_128 : i32
      %dma_start3A_130 = arith.constant 0 : i32
      %dma_start3A_131 = tpu.memref_slice %arg6[%add3A_129, %dma_start3A_130] : memref<323584x128xf32, #tpu.memory_space<hbm>> -> memref<64x128xf32, #tpu.memory_space<hbm>>
      %dma_start3A_132 = arith.constant 0 : i32
      %dma_start3A_133 = tpu.memref_slice %arg6[%add3A_129, %dma_start3A_132] : memref<323584x128xf32, #tpu.memory_space<hbm>> -> memref<64x128xf32, #tpu.memory_space<hbm>>
      tpu.enqueue_dma source(%arg17 : memref<64x128xf32, #tpu.memory_space<vmem>>) target(%dma_start3A_133 : memref<64x128xf32, #tpu.memory_space<hbm>>) target_semaphore(%arg25 : memref<!tpu.dma_semaphore, #tpu.memory_space<semaphore_mem>>)
      %dma_start3A_134 = arith.constant 0 : i32
      %dma_start3A_135 = tpu.memref_slice %arg7[%add3A_129, %dma_start3A_134] : memref<323584x16xf32, #tpu.memory_space<hbm>> -> memref<64x16xf32, #tpu.memory_space<hbm>>
      %dma_start3A_136 = arith.constant 0 : i32
      %dma_start3A_137 = tpu.memref_slice %arg7[%add3A_129, %dma_start3A_136] : memref<323584x16xf32, #tpu.memory_space<hbm>> -> memref<64x16xf32, #tpu.memory_space<hbm>>
      tpu.enqueue_dma source(%arg19 : memref<64x16xf32, #tpu.memory_space<vmem>>) target(%dma_start3A_137 : memref<64x16xf32, #tpu.memory_space<hbm>>) target_semaphore(%arg25 : memref<!tpu.dma_semaphore, #tpu.memory_space<semaphore_mem>>)
    }
    %scan3A_31 = arith.constant 79 : i32
    %dma_wait3A_32 = arith.constant 0 : i32
    %dma_wait3A_33 = arith.constant 0 : i32
    %dma_wait3A_34 = tpu.memref_slice %arg6[%dma_wait3A_32, %dma_wait3A_33] : memref<323584x128xf32, #tpu.memory_space<hbm>> -> memref<64x128xf32, #tpu.memory_space<hbm>>
    %dma_wait3A_35 = arith.constant 0 : i32
    %dma_wait3A_36 = arith.constant 0 : i32
    %dma_wait3A_37 = tpu.memref_slice %arg6[%dma_wait3A_35, %dma_wait3A_36] : memref<323584x128xf32, #tpu.memory_space<hbm>> -> memref<64x128xf32, #tpu.memory_space<hbm>>
    tpu.wait_dma2 semaphore(%arg24 : memref<!tpu.dma_semaphore, #tpu.memory_space<semaphore_mem>>) src(%arg16 : memref<64x128xf32, #tpu.memory_space<vmem>>) dst(%dma_wait3A_37 : memref<64x128xf32, #tpu.memory_space<hbm>>)
    %dma_wait3A_38 = arith.constant 0 : i32
    %dma_wait3A_39 = arith.constant 0 : i32
    %dma_wait3A_40 = tpu.memref_slice %arg7[%dma_wait3A_38, %dma_wait3A_39] : memref<323584x16xf32, #tpu.memory_space<hbm>> -> memref<64x16xf32, #tpu.memory_space<hbm>>
    %dma_wait3A_41 = arith.constant 0 : i32
    %dma_wait3A_42 = arith.constant 0 : i32
    %dma_wait3A_43 = tpu.memref_slice %arg7[%dma_wait3A_41, %dma_wait3A_42] : memref<323584x16xf32, #tpu.memory_space<hbm>> -> memref<64x16xf32, #tpu.memory_space<hbm>>
    tpu.wait_dma2 semaphore(%arg24 : memref<!tpu.dma_semaphore, #tpu.memory_space<semaphore_mem>>) src(%arg18 : memref<64x16xf32, #tpu.memory_space<vmem>>) dst(%dma_wait3A_43 : memref<64x16xf32, #tpu.memory_space<hbm>>)
    %dma_wait3A_44 = arith.constant 0 : i32
    %dma_wait3A_45 = arith.constant 0 : i32
    %dma_wait3A_46 = tpu.memref_slice %arg6[%dma_wait3A_44, %dma_wait3A_45] : memref<323584x128xf32, #tpu.memory_space<hbm>> -> memref<64x128xf32, #tpu.memory_space<hbm>>
    %dma_wait3A_47 = arith.constant 0 : i32
    %dma_wait3A_48 = arith.constant 0 : i32
    %dma_wait3A_49 = tpu.memref_slice %arg6[%dma_wait3A_47, %dma_wait3A_48] : memref<323584x128xf32, #tpu.memory_space<hbm>> -> memref<64x128xf32, #tpu.memory_space<hbm>>
    tpu.wait_dma2 semaphore(%arg25 : memref<!tpu.dma_semaphore, #tpu.memory_space<semaphore_mem>>) src(%arg17 : memref<64x128xf32, #tpu.memory_space<vmem>>) dst(%dma_wait3A_49 : memref<64x128xf32, #tpu.memory_space<hbm>>)
    %dma_wait3A_50 = arith.constant 0 : i32
    %dma_wait3A_51 = arith.constant 0 : i32
    %dma_wait3A_52 = tpu.memref_slice %arg7[%dma_wait3A_50, %dma_wait3A_51] : memref<323584x16xf32, #tpu.memory_space<hbm>> -> memref<64x16xf32, #tpu.memory_space<hbm>>
    %dma_wait3A_53 = arith.constant 0 : i32
    %dma_wait3A_54 = arith.constant 0 : i32
    %dma_wait3A_55 = tpu.memref_slice %arg7[%dma_wait3A_53, %dma_wait3A_54] : memref<323584x16xf32, #tpu.memory_space<hbm>> -> memref<64x16xf32, #tpu.memory_space<hbm>>
    tpu.wait_dma2 semaphore(%arg25 : memref<!tpu.dma_semaphore, #tpu.memory_space<semaphore_mem>>) src(%arg19 : memref<64x16xf32, #tpu.memory_space<vmem>>) dst(%dma_wait3A_55 : memref<64x16xf32, #tpu.memory_space<hbm>>)
    return
  }
}

module attributes {stable_mosaic.version = 14 : i64} {
  func.func @_pre_body(%arg0: i32, %arg1: memref<1000x128xf32, #tpu.memory_space<vmem>>, %arg2: memref<1000x16xf32, #tpu.memory_space<vmem>>, %arg3: memref<128x128xf32, #tpu.memory_space<vmem>>, %arg4: memref<128x128xf32, #tpu.memory_space<vmem>>, %arg5: memref<1x128xf32, #tpu.memory_space<vmem>>, %arg6: memref<1000x144xf32, #tpu.memory_space<vmem>>, %arg7: memref<1000x144xf32, #tpu.memory_space<vmem>>) attributes {dimension_semantics = [#tpu.dimension_semantics<arbitrary>], iteration_bounds = array<i64: 10>, scalar_prefetch = 0 : i64, scratch_operands = 0 : i64, tpu.core_type = #tpu.core_type<tc>, window_params = [{transform_indices = @transform_0, window_bounds = array<i64: 1000, 128>}, {transform_indices = @transform_1, window_bounds = array<i64: 1000, 16>}, {pipeline_mode = #tpu.pipeline_mode<synchronous>, transform_indices = @transform_2, window_bounds = array<i64: 128, 128>}, {pipeline_mode = #tpu.pipeline_mode<synchronous>, transform_indices = @transform_3, window_bounds = array<i64: 128, 128>}, {pipeline_mode = #tpu.pipeline_mode<synchronous>, transform_indices = @transform_4, window_bounds = array<i64: 1, 128>}, {transform_indices = @transform_5, window_bounds = array<i64: 1000, 144>}, {transform_indices = @transform_6, window_bounds = array<i64: 1000, 144>}]} {
    %get3A = arith.constant 0 : index
    %get3A_0 = arith.constant 0 : index
    %get3A_1 = vector.load %arg1[%get3A, %get3A_0] : memref<1000x128xf32, #tpu.memory_space<vmem>>, vector<1000x128xf32>
    %get3A_2 = arith.constant 0 : index
    %get3A_3 = arith.constant 0 : index
    %get3A_4 = vector.load %arg2[%get3A_2, %get3A_3] : memref<1000x16xf32, #tpu.memory_space<vmem>>, vector<1000x16xf32>
    %get3A_5 = arith.constant 0 : index
    %get3A_6 = arith.constant 0 : index
    %get3A_7 = vector.load %arg3[%get3A_5, %get3A_6] : memref<128x128xf32, #tpu.memory_space<vmem>>, vector<128x128xf32>
    %dot_general3A = arith.constant dense<0.000000e+00> : vector<1000x128xf32>
    %dot_general3A_8 = tpu.matmul %get3A_1, %get3A_7, %dot_general3A {dimension_numbers = #tpu.dot_dimension_numbers<[1], [0], [0], [1], [0, 0, 1, 1], [], []>, transpose_lhs_hint = false} : vector<1000x128xf32>, vector<128x128xf32>, vector<1000x128xf32> -> vector<1000x128xf32>
    %get3A_9 = arith.constant 0 : index
    %get3A_10 = arith.constant 0 : index
    %get3A_11 = vector.load %arg5[%get3A_9, %get3A_10] : memref<1x128xf32, #tpu.memory_space<vmem>>, vector<1x128xf32>
    %add3A = vector.broadcast %get3A_11 : vector<1x128xf32> to vector<1000x128xf32>
    %add3A_12 = arith.addf %dot_general3A_8, %add3A : vector<1000x128xf32>
    %swap3A = arith.constant 0 : index
    %swap3A_13 = arith.constant 0 : index
    %swap3A_14 = vector.load %arg6[%swap3A, %swap3A_13] : memref<1000x144xf32, #tpu.memory_space<vmem>>, vector<1000x128xf32>
    tpu.vector_store %arg6[%swap3A, %swap3A_13], %add3A_12 {strides = array<i32>} : memref<1000x144xf32, #tpu.memory_space<vmem>>, vector<1000x128xf32>,
    %swap3A_15 = arith.constant 0 : index
    %swap3A_16 = arith.constant 128 : index
    %swap3A_17 = vector.load %arg6[%swap3A_15, %swap3A_16] : memref<1000x144xf32, #tpu.memory_space<vmem>>, vector<1000x16xf32>
    tpu.vector_store %arg6[%swap3A_15, %swap3A_16], %get3A_4 {strides = array<i32>} : memref<1000x144xf32, #tpu.memory_space<vmem>>, vector<1000x16xf32>,
    %get3A_18 = arith.constant 0 : index
    %get3A_19 = arith.constant 0 : index
    %get3A_20 = vector.load %arg4[%get3A_18, %get3A_19] : memref<128x128xf32, #tpu.memory_space<vmem>>, vector<128x128xf32>
    %dot_general3A_21 = arith.constant dense<0.000000e+00> : vector<1000x128xf32>
    %dot_general3A_22 = tpu.matmul %get3A_1, %get3A_20, %dot_general3A_21 {dimension_numbers = #tpu.dot_dimension_numbers<[1], [0], [0], [1], [0, 0, 1, 1], [], []>, transpose_lhs_hint = false} : vector<1000x128xf32>, vector<128x128xf32>, vector<1000x128xf32> -> vector<1000x128xf32>
    %swap3A_23 = arith.constant 0 : index
    %swap3A_24 = arith.constant 0 : index
    %swap3A_25 = vector.load %arg7[%swap3A_23, %swap3A_24] : memref<1000x144xf32, #tpu.memory_space<vmem>>, vector<1000x128xf32>
    tpu.vector_store %arg7[%swap3A_23, %swap3A_24], %dot_general3A_22 {strides = array<i32>} : memref<1000x144xf32, #tpu.memory_space<vmem>>, vector<1000x128xf32>,
    %neg3A = arith.constant 0.000000e+00 : f32
    %neg3A_26 = vector.broadcast %neg3A : f32 to vector<1000x16xf32>
    %neg3A_27 = arith.subf %neg3A_26, %get3A_4 : vector<1000x16xf32>
    %swap3A_28 = arith.constant 0 : index
    %swap3A_29 = arith.constant 128 : index
    %swap3A_30 = vector.load %arg7[%swap3A_28, %swap3A_29] : memref<1000x144xf32, #tpu.memory_space<vmem>>, vector<1000x16xf32>
    tpu.vector_store %arg7[%swap3A_28, %swap3A_29], %neg3A_27 {strides = array<i32>} : memref<1000x144xf32, #tpu.memory_space<vmem>>, vector<1000x16xf32>,
    return
  }
  func.func @transform_0(%arg0: i32) -> (i32, i32) {
    %c0_i32 = arith.constant 0 : i32
    %c0_i32_0 = arith.constant 0 : i32
    return %arg0, %c0_i32 : i32, i32
  }
  func.func @transform_1(%arg0: i32) -> (i32, i32) {
    %c0_i32 = arith.constant 0 : i32
    %c0_i32_0 = arith.constant 0 : i32
    return %arg0, %c0_i32 : i32, i32
  }
  func.func @transform_2(%arg0: i32) -> (i32, i32) {
    %c0_i32 = arith.constant 0 : i32
    %c0_i32_0 = arith.constant 0 : i32
    %c0_i32_1 = arith.constant 0 : i32
    return %c0_i32, %c0_i32_0 : i32, i32
  }
  func.func @transform_3(%arg0: i32) -> (i32, i32) {
    %c0_i32 = arith.constant 0 : i32
    %c0_i32_0 = arith.constant 0 : i32
    %c0_i32_1 = arith.constant 0 : i32
    return %c0_i32, %c0_i32_0 : i32, i32
  }
  func.func @transform_4(%arg0: i32) -> (i32, i32) {
    %c0_i32 = arith.constant 0 : i32
    %c0_i32_0 = arith.constant 0 : i32
    %c0_i32_1 = arith.constant 0 : i32
    return %c0_i32, %c0_i32_0 : i32, i32
  }
  func.func @transform_5(%arg0: i32) -> (i32, i32) {
    %c0_i32 = arith.constant 0 : i32
    %c0_i32_0 = arith.constant 0 : i32
    return %arg0, %c0_i32 : i32, i32
  }
  func.func @transform_6(%arg0: i32) -> (i32, i32) {
    %c0_i32 = arith.constant 0 : i32
    %c0_i32_0 = arith.constant 0 : i32
    return %arg0, %c0_i32 : i32, i32
  }
}

module attributes {stable_mosaic.version = 14 : i64} {
  func.func @_edge_body(%arg0: i32, %arg1: memref<2048x128xf32, #tpu.memory_space<vmem>>, %arg2: memref<2048x16xf32, #tpu.memory_space<vmem>>, %arg3: memref<128x128xf32, #tpu.memory_space<vmem>>, %arg4: memref<1x128xf32, #tpu.memory_space<vmem>>, %arg5: memref<1x128xf32, #tpu.memory_space<vmem>>, %arg6: memref<2048x128xf32, #tpu.memory_space<vmem>>) attributes {dimension_semantics = [#tpu.dimension_semantics<arbitrary>], iteration_bounds = array<i64: 158>, scalar_prefetch = 0 : i64, scratch_operands = 0 : i64, tpu.core_type = #tpu.core_type<tc>, window_params = [{transform_indices = @transform_0, window_bounds = array<i64: 2048, 128>}, {transform_indices = @transform_1, window_bounds = array<i64: 2048, 16>}, {pipeline_mode = #tpu.pipeline_mode<synchronous>, transform_indices = @transform_2, window_bounds = array<i64: 128, 128>}, {pipeline_mode = #tpu.pipeline_mode<synchronous>, transform_indices = @transform_3, window_bounds = array<i64: 1, 128>}, {pipeline_mode = #tpu.pipeline_mode<synchronous>, transform_indices = @transform_4, window_bounds = array<i64: 1, 128>}, {transform_indices = @transform_5, window_bounds = array<i64: 2048, 128>}]} {
    %get3A = arith.constant 0 : index
    %get3A_0 = arith.constant 0 : index
    %get3A_1 = vector.load %arg2[%get3A, %get3A_0] : memref<2048x16xf32, #tpu.memory_space<vmem>>, vector<2048x16xf32>
    %mul3A = arith.mulf %get3A_1, %get3A_1 : vector<2048x16xf32>
    %reduce_sum3A = arith.constant dense<0.000000e+00> : vector<2048xf32>
    %reduce_sum3A_2 = vector.multi_reduction <add>, %mul3A, %reduce_sum3A [1] : vector<2048x16xf32> to vector<2048xf32>
    %broadcast_in_dim3A = vector.shape_cast %reduce_sum3A_2 : vector<2048xf32> to vector<2048x1xf32>
    %sqrt3A = math.sqrt %broadcast_in_dim3A : vector<2048x1xf32>
    %get3A_3 = arith.constant 0 : index
    %get3A_4 = arith.constant 0 : index
    %get3A_5 = vector.load %arg1[%get3A_3, %get3A_4] : memref<2048x128xf32, #tpu.memory_space<vmem>>, vector<2048x128xf32>
    %get3A_6 = arith.constant 0 : index
    %get3A_7 = arith.constant 0 : index
    %get3A_8 = vector.load %arg4[%get3A_6, %get3A_7] : memref<1x128xf32, #tpu.memory_space<vmem>>, vector<1x128xf32>
    %mul3A_9 = vector.broadcast %sqrt3A : vector<2048x1xf32> to vector<2048x128xf32>
    %mul3A_10 = vector.broadcast %get3A_8 : vector<1x128xf32> to vector<2048x128xf32>
    %mul3A_11 = arith.mulf %mul3A_9, %mul3A_10 : vector<2048x128xf32>
    %add3A = arith.addf %get3A_5, %mul3A_11 : vector<2048x128xf32>
    %logistic3A = arith.negf %add3A : vector<2048x128xf32>
    %logistic3A_12 = math.exp %logistic3A : vector<2048x128xf32>
    %logistic3A_13 = arith.constant 1.000000e+00 : f32
    %logistic3A_14 = vector.broadcast %logistic3A_13 : f32 to vector<2048x128xf32>
    %logistic3A_15 = arith.addf %logistic3A_14, %logistic3A_12 : vector<2048x128xf32>
    %logistic3A_16 = arith.divf %logistic3A_14, %logistic3A_15 : vector<2048x128xf32>
    %mul3A_17 = arith.mulf %add3A, %logistic3A_16 : vector<2048x128xf32>
    %get3A_18 = arith.constant 0 : index
    %get3A_19 = arith.constant 0 : index
    %get3A_20 = vector.load %arg3[%get3A_18, %get3A_19] : memref<128x128xf32, #tpu.memory_space<vmem>>, vector<128x128xf32>
    %dot_general3A = arith.constant dense<0.000000e+00> : vector<2048x128xf32>
    %dot_general3A_21 = tpu.matmul %mul3A_17, %get3A_20, %dot_general3A {dimension_numbers = #tpu.dot_dimension_numbers<[1], [0], [0], [1], [0, 0, 1, 1], [], []>, transpose_lhs_hint = false} : vector<2048x128xf32>, vector<128x128xf32>, vector<2048x128xf32> -> vector<2048x128xf32>
    %get3A_22 = arith.constant 0 : index
    %get3A_23 = arith.constant 0 : index
    %get3A_24 = vector.load %arg5[%get3A_22, %get3A_23] : memref<1x128xf32, #tpu.memory_space<vmem>>, vector<1x128xf32>
    %add3A_25 = vector.broadcast %get3A_24 : vector<1x128xf32> to vector<2048x128xf32>
    %add3A_26 = arith.addf %dot_general3A_21, %add3A_25 : vector<2048x128xf32>
    %logistic3A_27 = arith.negf %add3A_26 : vector<2048x128xf32>
    %logistic3A_28 = math.exp %logistic3A_27 : vector<2048x128xf32>
    %logistic3A_29 = arith.constant 1.000000e+00 : f32
    %logistic3A_30 = vector.broadcast %logistic3A_29 : f32 to vector<2048x128xf32>
    %logistic3A_31 = arith.addf %logistic3A_30, %logistic3A_28 : vector<2048x128xf32>
    %logistic3A_32 = arith.divf %logistic3A_30, %logistic3A_31 : vector<2048x128xf32>
    %mul3A_33 = arith.mulf %add3A_26, %logistic3A_32 : vector<2048x128xf32>
    %swap3A = arith.constant 0 : index
    %swap3A_34 = arith.constant 0 : index
    %swap3A_35 = vector.load %arg6[%swap3A, %swap3A_34] : memref<2048x128xf32, #tpu.memory_space<vmem>>, vector<2048x128xf32>
    tpu.vector_store %arg6[%swap3A, %swap3A_34], %mul3A_33 {strides = array<i32>} : memref<2048x128xf32, #tpu.memory_space<vmem>>, vector<2048x128xf32>,
    return
  }
  func.func @transform_0(%arg0: i32) -> (i32, i32) {
    %c0_i32 = arith.constant 0 : i32
    %c0_i32_0 = arith.constant 0 : i32
    return %arg0, %c0_i32 : i32, i32
  }
  func.func @transform_1(%arg0: i32) -> (i32, i32) {
    %c0_i32 = arith.constant 0 : i32
    %c0_i32_0 = arith.constant 0 : i32
    return %arg0, %c0_i32 : i32, i32
  }
  func.func @transform_2(%arg0: i32) -> (i32, i32) {
    %c0_i32 = arith.constant 0 : i32
    %c0_i32_0 = arith.constant 0 : i32
    %c0_i32_1 = arith.constant 0 : i32
    return %c0_i32, %c0_i32_0 : i32, i32
  }
  func.func @transform_3(%arg0: i32) -> (i32, i32) {
    %c0_i32 = arith.constant 0 : i32
    %c0_i32_0 = arith.constant 0 : i32
    %c0_i32_1 = arith.constant 0 : i32
    return %c0_i32, %c0_i32_0 : i32, i32
  }
  func.func @transform_4(%arg0: i32) -> (i32, i32) {
    %c0_i32 = arith.constant 0 : i32
    %c0_i32_0 = arith.constant 0 : i32
    %c0_i32_1 = arith.constant 0 : i32
    return %c0_i32, %c0_i32_0 : i32, i32
  }
  func.func @transform_5(%arg0: i32) -> (i32, i32) {
    %c0_i32 = arith.constant 0 : i32
    %c0_i32_0 = arith.constant 0 : i32
    return %arg0, %c0_i32 : i32, i32
  }
}

module attributes {stable_mosaic.version = 14 : i64} {
  func.func @_fin_body(%arg0: i32, %arg1: memref<1000x128xf32, #tpu.memory_space<vmem>>, %arg2: memref<1x1000x128xf32, #tpu.memory_space<vmem>>, %arg3: memref<1x1000x128xf32, #tpu.memory_space<vmem>>, %arg4: memref<128x128xf32, #tpu.memory_space<vmem>>, %arg5: memref<128x128xf32, #tpu.memory_space<vmem>>, %arg6: memref<1x128xf32, #tpu.memory_space<vmem>>, %arg7: memref<128x128xf32, #tpu.memory_space<vmem>>, %arg8: memref<1x128xf32, #tpu.memory_space<vmem>>, %arg9: memref<1000x128xf32, #tpu.memory_space<vmem>>) attributes {dimension_semantics = [#tpu.dimension_semantics<arbitrary>], iteration_bounds = array<i64: 10>, scalar_prefetch = 0 : i64, scratch_operands = 0 : i64, tpu.core_type = #tpu.core_type<tc>, window_params = [{transform_indices = @transform_0, window_bounds = array<i64: 1000, 128>}, {transform_indices = @transform_1, window_bounds = array<i64: 1, 1000, 128>}, {transform_indices = @transform_2, window_bounds = array<i64: 1, 1000, 128>}, {pipeline_mode = #tpu.pipeline_mode<synchronous>, transform_indices = @transform_3, window_bounds = array<i64: 128, 128>}, {pipeline_mode = #tpu.pipeline_mode<synchronous>, transform_indices = @transform_4, window_bounds = array<i64: 128, 128>}, {pipeline_mode = #tpu.pipeline_mode<synchronous>, transform_indices = @transform_5, window_bounds = array<i64: 1, 128>}, {pipeline_mode = #tpu.pipeline_mode<synchronous>, transform_indices = @transform_6, window_bounds = array<i64: 128, 128>}, {pipeline_mode = #tpu.pipeline_mode<synchronous>, transform_indices = @transform_7, window_bounds = array<i64: 1, 128>}, {transform_indices = @transform_8, window_bounds = array<i64: 1000, 128>}]} {
    %get3A = arith.constant 0 : index
    %get3A_0 = arith.constant 0 : index
    %get3A_1 = arith.constant 0 : index
    %get3A_2 = vector.load %arg2[%get3A, %get3A_0, %get3A_1] : memref<1x1000x128xf32, #tpu.memory_space<vmem>>, vector<1x1000x128xf32>
    %get3A_3 = vector.shape_cast %get3A_2 : vector<1x1000x128xf32> to vector<1000x128xf32>
    %get3A_4 = arith.constant 0 : index
    %get3A_5 = arith.constant 0 : index
    %get3A_6 = arith.constant 0 : index
    %get3A_7 = vector.load %arg3[%get3A_4, %get3A_5, %get3A_6] : memref<1x1000x128xf32, #tpu.memory_space<vmem>>, vector<1x1000x128xf32>
    %get3A_8 = vector.shape_cast %get3A_7 : vector<1x1000x128xf32> to vector<1000x128xf32>
    %add3A = arith.addf %get3A_3, %get3A_8 : vector<1000x128xf32>
    %get3A_9 = arith.constant 0 : index
    %get3A_10 = arith.constant 0 : index
    %get3A_11 = vector.load %arg1[%get3A_9, %get3A_10] : memref<1000x128xf32, #tpu.memory_space<vmem>>, vector<1000x128xf32>
    %get3A_12 = arith.constant 0 : index
    %get3A_13 = arith.constant 0 : index
    %get3A_14 = vector.load %arg4[%get3A_12, %get3A_13] : memref<128x128xf32, #tpu.memory_space<vmem>>, vector<128x128xf32>
    %dot_general3A = arith.constant dense<0.000000e+00> : vector<1000x128xf32>
    %dot_general3A_15 = tpu.matmul %get3A_11, %get3A_14, %dot_general3A {dimension_numbers = #tpu.dot_dimension_numbers<[1], [0], [0], [1], [0, 0, 1, 1], [], []>, transpose_lhs_hint = false} : vector<1000x128xf32>, vector<128x128xf32>, vector<1000x128xf32> -> vector<1000x128xf32>
    %get3A_16 = arith.constant 0 : index
    %get3A_17 = arith.constant 0 : index
    %get3A_18 = vector.load %arg5[%get3A_16, %get3A_17] : memref<128x128xf32, #tpu.memory_space<vmem>>, vector<128x128xf32>
    %dot_general3A_19 = arith.constant dense<0.000000e+00> : vector<1000x128xf32>
    %dot_general3A_20 = tpu.matmul %add3A, %get3A_18, %dot_general3A_19 {dimension_numbers = #tpu.dot_dimension_numbers<[1], [0], [0], [1], [0, 0, 1, 1], [], []>, transpose_lhs_hint = false} : vector<1000x128xf32>, vector<128x128xf32>, vector<1000x128xf32> -> vector<1000x128xf32>
    %add3A_21 = arith.addf %dot_general3A_15, %dot_general3A_20 : vector<1000x128xf32>
    %get3A_22 = arith.constant 0 : index
    %get3A_23 = arith.constant 0 : index
    %get3A_24 = vector.load %arg6[%get3A_22, %get3A_23] : memref<1x128xf32, #tpu.memory_space<vmem>>, vector<1x128xf32>
    %add3A_25 = vector.broadcast %get3A_24 : vector<1x128xf32> to vector<1000x128xf32>
    %add3A_26 = arith.addf %add3A_21, %add3A_25 : vector<1000x128xf32>
    %logistic3A = arith.negf %add3A_26 : vector<1000x128xf32>
    %logistic3A_27 = math.exp %logistic3A : vector<1000x128xf32>
    %logistic3A_28 = arith.constant 1.000000e+00 : f32
    %logistic3A_29 = vector.broadcast %logistic3A_28 : f32 to vector<1000x128xf32>
    %logistic3A_30 = arith.addf %logistic3A_29, %logistic3A_27 : vector<1000x128xf32>
    %logistic3A_31 = arith.divf %logistic3A_29, %logistic3A_30 : vector<1000x128xf32>
    %mul3A = arith.mulf %add3A_26, %logistic3A_31 : vector<1000x128xf32>
    %get3A_32 = arith.constant 0 : index
    %get3A_33 = arith.constant 0 : index
    %get3A_34 = vector.load %arg7[%get3A_32, %get3A_33] : memref<128x128xf32, #tpu.memory_space<vmem>>, vector<128x128xf32>
    %dot_general3A_35 = arith.constant dense<0.000000e+00> : vector<1000x128xf32>
    %dot_general3A_36 = tpu.matmul %mul3A, %get3A_34, %dot_general3A_35 {dimension_numbers = #tpu.dot_dimension_numbers<[1], [0], [0], [1], [0, 0, 1, 1], [], []>, transpose_lhs_hint = false} : vector<1000x128xf32>, vector<128x128xf32>, vector<1000x128xf32> -> vector<1000x128xf32>
    %get3A_37 = arith.constant 0 : index
    %get3A_38 = arith.constant 0 : index
    %get3A_39 = vector.load %arg8[%get3A_37, %get3A_38] : memref<1x128xf32, #tpu.memory_space<vmem>>, vector<1x128xf32>
    %add3A_40 = vector.broadcast %get3A_39 : vector<1x128xf32> to vector<1000x128xf32>
    %add3A_41 = arith.addf %dot_general3A_36, %add3A_40 : vector<1000x128xf32>
    %swap3A = arith.constant 0 : index
    %swap3A_42 = arith.constant 0 : index
    %swap3A_43 = vector.load %arg9[%swap3A, %swap3A_42] : memref<1000x128xf32, #tpu.memory_space<vmem>>, vector<1000x128xf32>
    tpu.vector_store %arg9[%swap3A, %swap3A_42], %add3A_41 {strides = array<i32>} : memref<1000x128xf32, #tpu.memory_space<vmem>>, vector<1000x128xf32>,
    return
  }
  func.func @transform_0(%arg0: i32) -> (i32, i32) {
    %c0_i32 = arith.constant 0 : i32
    %c0_i32_0 = arith.constant 0 : i32
    return %arg0, %c0_i32 : i32, i32
  }
  func.func @transform_1(%arg0: i32) -> (i32, i32, i32) {
    %c0_i32 = arith.constant 0 : i32
    %c0_i32_0 = arith.constant 0 : i32
    %c0_i32_1 = arith.constant 0 : i32
    return %c0_i32, %arg0, %c0_i32_0 : i32, i32, i32
  }
  func.func @transform_2(%arg0: i32) -> (i32, i32, i32) {
    %c1_i32 = arith.constant 1 : i32
    %c0_i32 = arith.constant 0 : i32
    %c0_i32_0 = arith.constant 0 : i32
    return %c1_i32, %arg0, %c0_i32 : i32, i32, i32
  }
  func.func @transform_3(%arg0: i32) -> (i32, i32) {
    %c0_i32 = arith.constant 0 : i32
    %c0_i32_0 = arith.constant 0 : i32
    %c0_i32_1 = arith.constant 0 : i32
    return %c0_i32, %c0_i32_0 : i32, i32
  }
  func.func @transform_4(%arg0: i32) -> (i32, i32) {
    %c0_i32 = arith.constant 0 : i32
    %c0_i32_0 = arith.constant 0 : i32
    %c0_i32_1 = arith.constant 0 : i32
    return %c0_i32, %c0_i32_0 : i32, i32
  }
  func.func @transform_5(%arg0: i32) -> (i32, i32) {
    %c0_i32 = arith.constant 0 : i32
    %c0_i32_0 = arith.constant 0 : i32
    %c0_i32_1 = arith.constant 0 : i32
    return %c0_i32, %c0_i32_0 : i32, i32
  }
  func.func @transform_6(%arg0: i32) -> (i32, i32) {
    %c0_i32 = arith.constant 0 : i32
    %c0_i32_0 = arith.constant 0 : i32
    %c0_i32_1 = arith.constant 0 : i32
    return %c0_i32, %c0_i32_0 : i32, i32
  }
  func.func @transform_7(%arg0: i32) -> (i32, i32) {
    %c0_i32 = arith.constant 0 : i32
    %c0_i32_0 = arith.constant 0 : i32
    %c0_i32_1 = arith.constant 0 : i32
    return %c0_i32, %c0_i32_0 : i32, i32
  }
  func.func @transform_8(%arg0: i32) -> (i32, i32) {
    %c0_i32 = arith.constant 0 : i32
    %c0_i32_0 = arith.constant 0 : i32
    return %arg0, %c0_i32 : i32, i32
  }
}

</mosaic_0001>

<sc_bundles>
// kernel: kernel.10.cloned.1.call-start
scs
__scs_entry_jumppad:
0x0: {  	(pc) =	sbr.rel $0x88, $3  }
0x1: {  	(tag) =	ssettag $0x0;
	lr =	simm.s32 $0x1  }
0x2: {  	[smem:$0x3F96] =	sst lr;
	_ =	strace $0xD0000000  }
0x3: {  	_ = 	snop  }
0x4: {  	_ = 	snop  }
0x5: {  	_ = 	snop  }
0x6: {  	_ = 	snop  }
0x7: {  	_ = 	snop  }
__scs_overlays_trampoline_lowered:
0x8: {  	[smem:$0x3FA5] =	sst s0  }
0x9: {  	[smem:$0x3FA6] =	sst s1  }
0xa: {  	[smem:$0x3FA7] =	sst s2  }
0xb: {  	[smem:$0x3FA8] =	sst s3  }
0xc: {  	[smem:$0x3FA9] =	sst s4  }
0xd: {  	[smem:$0x3FAA] =	sst s5  }
0xe: {  	[smem:$0x3FAB] =	sst s6  }
0xf: {  	[smem:$0x3FAC] =	sst s7  }
0x10: {  	[smem:$0x3FAD] =	sst s8  }
0x11: {  	[smem:$0x3FAE] =	sst s9;
	s0 =	simm.s32 @!p0 $0x0  }
0x12: {  	s1 =	sld [smem:$0x3F94];
	s0 =	simm.s32 @p0 $0x1  }
0x13: {  	[smem:$0x3FAF] =	sst s0;
	s0 =	simm.s32 @!p1 $0x0  }
0x14: {  	s2 =	sld [smem:$0x3F93];
	s0 =	simm.s32 @p1 $0x1  }
0x15: {  	[smem:$0x3FB0] =	sst s0;
	s0 =	simm.s32 @!p2 $0x0  }
0x16: {  	s3 =	sld [smem:$0x3FDB];
	s0 =	simm.s32 @p2 $0x1  }
0x17: {  	s4 =	simm.s32 $0x1BF5;
	[smem:$0x3FB2] =	sst s0  }
0x18: {  	s0 =	sld [smem:$0x3F95];
	_ =	swait.ge [sflag:s4], $0x0  }
0x19: {  	s7 =	sld [smem:$0x3F96]  }
0x1a: {  	s8 =	sadd.s32 $0xFFFFE003, lr  }
0x1b: {  	s9 =	sadd.s32 $0xFFFFFEF7, lr;
	s5 =	simm.s32 $0xFFFFFFFF;
	p2 =	slt.u32 s8, $0xFFFFF086  }
0x1c: {  	p1 =	slt.u32 s9, $0xF7A;
	s5 =	simm.s32 @!p2 $0x0  }
0x1d: {  	s5 =	simm.s32 @p1 $0x1;
	p0 =	seq.s32 s7, s2  }
0x1e: {  	s7 =	smul.u32 @!p0 $0xF7A, s2;
	p2 =	seq.s32 @!p0 s5, $0x0  }
0x1f: {  	s9 =	smul.u32 $0xF7A, s1;
	s8 =	simm.s32 @!p0 $0x1BF5;
	p2 =	por !p2, p0  }
0x20: {  	[sflag:s8] =	ssyncset.s32 @!p0 $0xFFFFF086;
	s6 =	sadd.s32 @!p0 s3, s7;
	s7 =	simm.s32 @!p0 $0x108  }
0x21: {  	s3 =	sadd.s32 s3, s9;
	s6 =	sadd.s32 @!p0 $0x88, s6;
	s7 =	simm.s32 @p2 $0x1082  }
0x22: {  	[simem:s7], [sflag:s8] =	dma.local @!p0 [hbm:s6], $0xF7A  }
0x23: {  	s9 =	sor.u32 $0xD0000000, s2;
	s6 =	simm.s32 $0x108;
	_ =	swait.ge @!p0 [sflag:s8], $0x0  }
0x24: {  	s3 =	sadd.s32 $0x88, s3;
	s6 =	simm.s32 @!p1 $0x1082;
	[sflag:s4] =	ssyncset.s32 $0xFFFFF086  }
0x25: {  	[simem:s6], [sflag:s4] =	dma.local [hbm:s3], $0xF7A  }
0x26: {  	[smem:$0x3F96] =	sst s1;
	(tag) =	ssettag s2;
	_ =	strace s9  }
0x27: {  	s1 =	sld [smem:$0x3FA6]  }
0x28: {  	s2 =	sld [smem:$0x3FA7]  }
0x29: {  	s4 =	sld [smem:$0x3FA9]  }
0x2a: {  	p0 =	seq.s32 s5, $0x0;
	s5 =	sld [smem:$0x3FAA]  }
0x2b: {  	s6 =	sld [smem:$0x3FAB]  }
0x2c: {  	s7 =	sld [smem:$0x3FAC]  }
0x2d: {  	s3 =	simm.s32 $0x108;
	s8 =	sld [smem:$0x3FAD]  }
0x2e: {  	s3 =	simm.s32 @!p0 $0x1082;
	s9 =	sld [smem:$0x3FAE]  }
0x2f: {  	lr =	sadd.s32 s0, s3;
	s0 =	sld [smem:$0x3FA5]  }
0x30: {  	s3 =	sld [smem:$0x3FA8]  }
0x31: {  	[smem:$0x3FB1] =	sst s10  }
0x32: {  	s10 =	sld [smem:$0x3FAF];
	_ =	sdelay $0x3  }
0x33: {  	p0 =	seq.s32 s10, $0x1;
	s10 =	sld [smem:$0x3FB1];
	_ =	sdelay $0x3  }
0x34: {  	[smem:$0x3FB1] =	sst s10  }
0x35: {  	s10 =	sld [smem:$0x3FB0];
	_ =	sdelay $0x3  }
0x36: {  	p1 =	seq.s32 s10, $0x1;
	s10 =	sld [smem:$0x3FB1];
	_ =	sdelay $0x3  }
0x37: {  	[smem:$0x3FB1] =	sst s10  }
0x38: {  	s10 =	sld [smem:$0x3FB2]  }
0x39: {  	_ = 	snop;
	(pc) =	sbr.ind lr, $3  }
0x3a: {  	_ = 	snop  }
0x3b: {  	_ = 	snop  }
0x3c: {  	p2 =	seq.s32 s10, $0x1;
	s10 =	sld [smem:$0x3FB1]  }
0x3d: {  	_ =	shalt  }
0x3e: {  	_ =	shalt  }
0x3f: {  	_ =	shalt  }
0x40: {  	_ =	shalt  }
0x41: {  	_ =	shalt  }
0x42: {  	_ =	shalt  }
0x43: {  	_ =	shalt  }
0x44: {  	_ =	shalt  }
0x45: {  	_ =	shalt  }
0x46: {  	_ =	shalt  }
0x47: {  	_ =	shalt  }
0x48: {  	_ =	shalt  }
0x49: {  	_ =	shalt  }
0x4a: {  	_ =	shalt  }
0x4b: {  	_ =	shalt  }
0x4c: {  	_ =	shalt  }
0x4d: {  	_ =	shalt  }
0x4e: {  	_ =	shalt  }
0x4f: {  	_ =	shalt  }
0x50: {  	_ =	shalt  }
0x51: {  	_ =	shalt  }
0x52: {  	_ =	shalt  }
0x53: {  	_ =	shalt  }
0x54: {  	_ =	shalt  }
0x55: {  	_ =	shalt  }
0x56: {  	_ =	shalt  }
0x57: {  	_ =	shalt  }
0x58: {  	_ =	shalt  }
0x59: {  	_ =	shalt  }
0x5a: {  	_ =	shalt  }
0x5b: {  	_ =	shalt  }
0x5c: {  	_ =	shalt  }
0x5d: {  	_ =	shalt  }
0x5e: {  	_ =	shalt  }
0x5f: {  	_ =	shalt  }
0x60: {  	_ =	shalt  }
0x61: {  	_ =	shalt  }
0x62: {  	_ =	shalt  }
0x63: {  	_ =	shalt  }
0x64: {  	_ =	shalt  }
0x65: {  	_ =	shalt  }
0x66: {  	_ =	shalt  }
0x67: {  	_ =	shalt  }
0x68: {  	_ =	shalt  }
0x69: {  	_ =	shalt  }
0x6a: {  	_ =	shalt  }
0x6b: {  	_ =	shalt  }
0x6c: {  	_ =	shalt  }
0x6d: {  	_ =	shalt  }
0x6e: {  	_ =	shalt  }
0x6f: {  	_ =	shalt  }
0x70: {  	_ =	shalt  }
0x71: {  	_ =	shalt  }
0x72: {  	_ =	shalt  }
0x73: {  	_ =	shalt  }
0x74: {  	_ =	shalt  }
0x75: {  	_ =	shalt  }
0x76: {  	_ =	shalt  }
0x77: {  	_ =	shalt  }
0x78: {  	_ =	shalt  }
0x79: {  	_ =	shalt  }
0x7a: {  	_ =	shalt  }
0x7b: {  	_ =	shalt  }
0x7c: {  	_ =	shalt  }
0x7d: {  	_ =	shalt  }
0x7e: {  	_ =	shalt  }
0x7f: {  	_ =	shalt  }
0x80: {  	_ =	shalt  }
0x81: {  	_ =	shalt  }
0x82: {  	_ =	shalt  }
0x83: {  	_ =	shalt  }
0x84: {  	_ =	shalt  }
0x85: {  	_ =	shalt  }
0x86: {  	_ =	shalt  }
0x87: {  	_ =	shalt  }
.Lfunc_end0:
.L_simem_size_0:
called_computation.1_lowered:
.L_overlay_start_0:
0x88: {  	s2 =	sld [smem:$0x3FD9]  }
0x89: {  	s3 =	sld [smem:$0x3FFE];
	_ =	sdelay $0x1  }
0x8a: {  	s1 =	srdreg.scid  }
0x8b: {  	s0 =	sand.u32 $0x1, s1  }
0x8c: {  	s16 =	sshll.u32 s0, $0xA;
	s2 =	sadd.s32 s3, s2  }
0x8d: {  	s2 =	sadd.s32 s2, s16  }
0x8e: {  	[smem:$0x3FBD] =	sst s2  }
0x8f: {  	_ = 	snop  }
0x90: {  	(tm) =	ssettm $0x1  }
0x91: {  	s17 =	sld [smem:$0x3FFB];
	_ =	sdelay $0x3  }
0x92: {  	_ =	strace s17  }
0x93: {  	s2 =	sld [smem:$0x3FFC];
	_ =	sdelay $0x3  }
0x94: {  	_ =	strace s2  }
0x95: {  	s2 =	sld [smem:$0x3FFD];
	_ =	sdelay $0x3  }
0x96: {  	_ =	strace s2  }
0x97: {  	_ =	strace $0x8FFFFFFF  }
0x98: {  	s18 =	sld [smem:$0x3FDB];
	_ =	sdelay $0x1  }
0x99: {  	s19 =	simm.s32 $_scs_section_size  }
0x9a: {  	s4 =	simm.s32 $_size__tile_overlayer_lowered;
	s5 =	simm.s32 $_tile_overlayer_lowered  }
0x9b: {  	s22 =	simm.s32 $0x1BFF;
	s21 =	sshll.u32 s5, $0x1;
	s2 =	sadd.s32 s19, s18  }
0x9c: {  	s6 =	simm.s32 $0x0;
	s20 =	sshll.u32 s4, $0x1;
	s4 =	sadd.s32 s21, s2  }
0x9d: {  	[timem:s6], [sflag:s22] =	dma.local [hbm:s4], s20  }
0x9e: {  	_ =	swait.ge [sflag:s22], s20  }
0x9f: {  	s3 =	ssub.s32 $0x0, s20;
	[sflag:s22] =	ssyncset.done $0x0  }
0xa0: {  	[sflag:s22] =	ssyncadd.s32 s3;
	_ =	sdelay $0x1  }
0xa1: {  	s23 =	simm.s32 $0x1B8B  }
0xa2: {  	_ =	swait.ge [sflag:s23], $0x1  }
0xa3: {  	[sflag:s23] =	ssyncset.done $0x0  }
0xa4: {  	s25 =	simm.s32 $0x1B8E;
	s24 =	sld [smem:$0x3FFE];
	[sflag:s23] =	ssyncadd.s32 $0xFFFFFFFF  }
0xa5: {  	s26 =	simm.s32 $execute0_lowered;
	[smem:$0x3FD2] =	sst s25  }
0xa6: {  	s4 =	sshll.u32 s26, $0x1;
	_ =	strace $0x80000049;
	[dreg:$0x1] =	wrdreg $0xFFFFFFFF  }
0xa7: {  	s28 =	simm.s32 $_size_execute0_lowered;
	s2 =	sadd.s32 s2, s4;
	[dreg:$0x0] =	wrdreg $0x0  }
0xa8: {  	s4 =	sshll.u32 s28, $0x1;
	[dreg:$0x2] =	wrdreg s2  }
0xa9: {  	[dreg:$0x3] =	wrdreg s4  }
0xaa: {  	[dreg:$0x4] =	wrdreg $0xC0  }
0xab: {  	_ =	task [dreg:s6], $0x5FFFF  }
0xac: {  	[dreg:$0x1] =	wrdreg $0xFFFFFFFF  }
0xad: {  	[dreg:$0x0] =	wrdreg $0x60  }
0xae: {  	[dreg:$0x2] =	wrdreg s24  }
0xaf: {  	[dreg:$0x3] =	wrdreg $0x40800  }
0xb0: {  	[dreg:$0x4] =	wrdreg $0x9  }
0xb1: {  	_ =	task.clear_ibuf [dreg:s6], $0x5FFFF;
	_ =	strace $0x90000049  }
0xb2: {  	s29 =	simm.s32 $0x9;
	_ =	strace $0x8000004B  }
0xb3: {  	_ =	swait.ge [sflag:s29], $0x1  }
0xb4: {  	[sflag:s29] =	ssyncadd.s32 $0xFFFFFFFF  }
0xb5: {  	_ =	strace $0x9000004B  }
0xb6: {  	_ =	sfence  }
0xb7: {  	s30 =	sld [smem:$0x0];
	_ =	sdelay $0x2  }
0xb8: {  	s31 =	sshll.u32 s1, $0xD;
	s1 =	sshrl.u32 s1, $0x2  }
0xb9: {  	s3 =	sand.u32 $0x4000, s31;
	s1 =	sadd.s32 s1, s30  }
0xba: {  	s0 =	sor.u32 s3, s0;
	s1 =	sshll.u32 s1, $0x11  }
0xbb: {  	s0 =	sor.u32 s1, s0  }
0xbc: {  	s0 =	sadd.s32 $0x8F2B, s0  }
0xbd: {  	[sflag:s0] =	ssyncadd.remote.s32 $0x1  }
0xbe: {  	_ =	sfence.sel $0xFFFF  }
0xbf: {  	[dreg:$0x0] =	wrdreg $0xFFFFFFFF;
	(pc) =	sbr.abs _section_cstart, $3  }
0xc0: {  	[dreg:$0x1] =	wrdreg $0xFFFFFFFF  }
0xc1: {  	_ =	task.clear_ibuf [dreg:s6], $0x2FFFF;
	_ =	strace $0x9FFFFFFF  }
0xc2: {  	(tm) =	ssettm $0x7FFFFFFF  }
0xc3: {  	_ =	shalt  }
tec
execute0_lowered:
.L_overlay_start_1:
0x0: {  	(tag) =	ssettag $0x1  }
0x1: {  	s0 =	srdreg.scid  }
0x2: {  	s17 =	stileid.u32;
	s3 =	rddreg [dreg:$0x0]  }
0x3: {  	s28 =	simm.s32 $0x4;
	s6 =	sand.u32 $0x1, s0;
	s0 =	smul.u32 $0x14000, s17  }
0x4: {  	s29 =	simm.s32 $0x0;
	s8 =	sadd.s32 $0x42400, s3;
	s24 =	smul.u32 $0x4F00, s17  }
0x5: {  	s5 =	sshll.u32 s17, $0x1;
	s31 =	sadd.s32 $0xAFAA00, s3;
	s7 =	smul.u32 $0x140000, s6  }
0x6: {  	s1 =	ssub.s32 $0x2, s6;
	s10 =	sor.u32 s6, s5;
	s6 =	smul.u32 $0x2780, s6  }
0x7: {  	s2 =	sshrl.u32 s1, $0x1;
	s5 =	sadd.s32 $0x6000, s0;
	s23 =	smul.u32 $0x2780, s10  }
0x8: {  	s21 =	sadd.s32 $0x10000, s0;
	s22 =	sadd.s32 $0x12000, s0;
	s26 =	smul.u32 $0x27800, s10  }
0x9: {  	s1 =	ssub.s32 s1, s2;
	s4 =	sadd.s32 s7, s0;
	s2 =	sor.u32 $0x2000, s0  }
0xa: {  	s11 =	sadd.s32 s7, s5;
	s4 =	sshrl.u32 s4, $0x3;
	s9 =	sadd.s32 s7, s2  }
0xb: {  	s20 =	sadd.s32 s7, s21;
	s4 =	sadd.s32 s8, s4;
	s12 =	sshrl.u32 s9, $0x3  }
0xc: {  	s6 =	sadd.s32 s6, s24;
	[dreg:$0x3] =	wrdreg s4;
	s4 =	sadd.s32 s8, s12  }
0xd: {  	s11 =	sshrl.u32 s11, $0x3;
	[dreg:$0x4] =	wrdreg s4;
	s4 =	sadd.s32 $0x4000, s0  }
0xe: {  	s30 =	sor.u32 $0x40, s23;
	s12 =	sadd.s32 $0x8000, s0;
	s13 =	sadd.s32 s7, s4  }
0xf: {  	s14 =	sadd.s32 s8, s11;
	s9 =	sshrl.u32 s13, $0x3;
	s13 =	sadd.s32 s7, s12  }
0x10: {  	[dreg:$0x6] =	wrdreg s14;
	s9 =	sadd.s32 s8, s9;
	s15 =	sshrl.u32 s13, $0x3  }
0x11: {  	s13 =	sadd.s32 $0xC000, s0;
	[dreg:$0x5] =	wrdreg s9;
	s9 =	sadd.s32 s8, s15  }
0x12: {  	s14 =	sadd.s32 s7, s13;
	[dreg:$0x7] =	wrdreg s9;
	s9 =	sadd.s32 $0xA000, s0  }
0x13: {  	s15 =	sadd.s32 $0xE000, s0;
	s14 =	sshrl.u32 s14, $0x3;
	s16 =	sadd.s32 s7, s9  }
0x14: {  	s18 =	sadd.s32 s8, s14;
	s14 =	sshrl.u32 s20, $0x3;
	s20 =	smul.u32 $0x50000, s17  }
0x15: {  	s11 =	sshrl.u32 s16, $0x3;
	s16 =	sadd.s32 s7, s15;
	[dreg:$0x9] =	wrdreg s18  }
0x16: {  	s7 =	sadd.s32 s7, s22;
	s25 =	sadd.s32 s8, s14;
	s18 =	sshll.u32 s30, $0x4  }
0x17: {  	s14 =	sadd.s32 $0x80, s6;
	s30 =	sshrl.u32 s30, $0x3;
	[dreg:$0xb] =	wrdreg s25  }
0x18: {  	s11 =	sadd.s32 s8, s11;
	s19 =	sshrl.u32 s16, $0x3;
	s16 =	rddreg [dreg:$0x1]  }
0x19: {  	s7 =	sshrl.u32 s7, $0x3;
	[dreg:$0x8] =	wrdreg s11;
	s11 =	sadd.s32 s8, s19  }
0x1a: {  	s25 =	sshrl.u32 s20, $0x2;
	s7 =	sadd.s32 s8, s7;
	[dreg:$0xa] =	wrdreg s11  }
0x1b: {  	s19 =	sadd.s32 s31, s18;
	s18 =	sshll.u32 s14, $0x4;
	[dreg:$0xc] =	wrdreg s7  }
0x1c: {  	s11 =	simm.s32 $0x0;
	s7 =	sadd.s32 s31, s26;
	[dreg:$0xe] =	wrdreg s19  }
0x1d: {  	s19 =	sadd.s32 $0x38600, s3;
	s26 =	sshrl.u32 s23, $0x3;
	[smem:$0x7FF] =	sst s11  }
0x1e: {  	s20 =	sadd.s32 s25, s16;
	[dreg:$0xd] =	wrdreg s7;
	s3 =	sadd.s32 s19, s26  }
0x1f: {  	s0 =	sadd.s32 s0, s16;
	_ =	strace $0x8000004A;
	[dreg:$0xf] =	wrdreg s3  }
0x20: {  	s7 =	sadd.s32 $0xC0, s6;
	s6 =	sadd.s32 s2, s16;
	[dreg:$0x11] =	wrdreg s0  }
0x21: {  	s8 =	sadd.s32 s4, s16;
	s10 =	sadd.s32 s5, s16;
	[dreg:$0x13] =	wrdreg s6  }
0x22: {  	s12 =	sadd.s32 s12, s16;
	s25 =	sadd.s32 s15, s16;
	[dreg:$0x14] =	wrdreg s8  }
0x23: {  	s18 =	sadd.s32 s18, s31;
	s23 =	sadd.s32 s9, s16;
	[dreg:$0x15] =	wrdreg s10  }
0x24: {  	s4 =	sadd.s32 $0x4000, s20;
	s5 =	sadd.s32 $0x6000, s20;
	[dreg:$0x16] =	wrdreg s12  }
0x25: {  	s9 =	sadd.s32 $0xE000, s20;
	s24 =	sshll.u32 s7, $0x4;
	[dreg:$0x17] =	wrdreg s23  }
0x26: {  	s3 =	smax.u32 s1, $0x1;
	[dreg:$0x19] =	wrdreg s25;
	s26 =	sshrl.u32 s7, $0x3  }
0x27: {  	s6 =	sadd.s32 $0x8000, s20;
	s7 =	sadd.s32 $0xA000, s20;
	s8 =	sadd.s32 $0xC000, s20  }
0x28: {  	s10 =	sadd.s32 $0x10000, s20;
	s12 =	sadd.s32 $0x12000, s20;
	s23 =	simm.s32 $0x2080  }
0x29: {  	s25 =	simm.s32 $0x3;
	s17 =	sadd.s32 s24, s31;
	s31 =	sadd.s32 s19, s30  }
0x2a: {  	[dreg:$0x12] =	wrdreg s3;
	s24 =	sadd.s32 s13, s16;
	s30 =	sadd.s32 s21, s16  }
0x2b: {  	s2 =	sadd.s32 s26, s19;
	s3 =	sadd.s32 $0x2000, s20;
	[dreg:$0x10] =	wrdreg s31  }
0x2c: {  	s13 =	simm.s32 $0x80;
	s21 =	simm.s32 $0x5;
	[dreg:$0x18] =	wrdreg s24  }
0x2d: {  	s26 =	simm.s32 $0x2;
	[dreg:$0x1a] =	wrdreg s30;
	s31 =	sadd.s32 s22, s16  }
0x2e: {  	v0 =	vimm.f32 $0.0e+00;
	s22 =	simm.s32 $0x40;
	s24 =	simm.s32 $0x1;
	[dreg:$0x1b] =	wrdreg s31  }
.LBB2_1:
0x2f: {  	s15 =	simm.s32 $0x0;
	s30 =	simm.s32 $0x200  }
.LBB2_2:
0x30: {  	p0 =	sne.s32 s30, $0x7E00;
	[tilespmem:s15+$0xF0] =	vst v0  }
0x31: {  	[tilespmem:s15+$0x80] =	vst v0  }
0x32: {  	[tilespmem:s15+$0x90] =	vst v0  }
.Ltmp0:
0x33: {  	[tilespmem:s15+$0xA0] =	vst v0;
	(pc) =	sbr.rel @p0 .LBB2_2-.Ltmp0, $4  }
0x34: {  	[tilespmem:s15+$0xB0] =	vst v0  }
0x35: {  	[tilespmem:s15+$0xC0] =	vst v0  }
0x36: {  	[tilespmem:s15+$0xD0] =	vst v0  }
0x37: {  	[tilespmem:s15+$0xE0] =	vst v0;
	s15 =	sshra.s32 s30, $0x2;
	s30 =	sadd.s32 $0x200, s30  }
0x38: {  	[tilespmem:s15+$0xF0] =	vst v0  }
0x39: {  	[tilespmem:s15+$0x80] =	vst v0  }
0x3a: {  	[tilespmem:s15+$0x90] =	vst v0  }
0x3b: {  	[tilespmem:s15+$0xA0] =	vst v0  }
0x3c: {  	[tilespmem:s15+$0xB0] =	vst v0  }
0x3d: {  	[tilespmem:s15+$0xC0] =	vst v0  }
0x3e: {  	[tilespmem:s15+$0xD0] =	vst v0  }
0x3f: {  	[tilespmem:s15+$0xE0] =	vst v0  }
0x40: {  	[spmem:s20] =	stream.linear.scatter [tilespmem:s13], [sflag:$0x5], $0x2000, $0x38;
	[tilespmem:$0x18080] =	vst v63  }
0x41: {  	_ =	swait.ge [sflag:s21], $0x2000  }
0x42: {  	[sflag:s21] =	ssyncset.done $0x0  }
0x43: {  	[sflag:s21] =	ssyncadd.s32 $0xFFFFE000  }
0x44: {  	[spmem:s3] =	stream.linear.scatter [tilespmem:s13], [sflag:$0x5], $0x2000, $0x38;
	[tilespmem:$0x18080] =	vst v63  }
0x45: {  	_ =	swait.ge [sflag:s21], $0x2000  }
0x46: {  	[sflag:s21] =	ssyncset.done $0x0  }
0x47: {  	[sflag:s21] =	ssyncadd.s32 $0xFFFFE000  }
0x48: {  	[spmem:s4] =	stream.linear.scatter [tilespmem:s13], [sflag:$0x5], $0x2000, $0x38;
	[tilespmem:$0x18080] =	vst v63  }
0x49: {  	_ =	swait.ge [sflag:s21], $0x2000  }
0x4a: {  	[sflag:s21] =	ssyncset.done $0x0  }
0x4b: {  	[sflag:s21] =	ssyncadd.s32 $0xFFFFE000  }
0x4c: {  	[spmem:s5] =	stream.linear.scatter [tilespmem:s13], [sflag:$0x5], $0x2000, $0x38;
	[tilespmem:$0x18080] =	vst v63  }
0x4d: {  	_ =	swait.ge [sflag:s21], $0x2000  }
0x4e: {  	[sflag:s21] =	ssyncset.done $0x0  }
0x4f: {  	[sflag:s21] =	ssyncadd.s32 $0xFFFFE000  }
0x50: {  	[spmem:s6] =	stream.linear.scatter [tilespmem:s13], [sflag:$0x5], $0x2000, $0x38;
	[tilespmem:$0x18080] =	vst v63  }
0x51: {  	_ =	swait.ge [sflag:s21], $0x2000  }
0x52: {  	[sflag:s21] =	ssyncset.done $0x0  }
0x53: {  	[sflag:s21] =	ssyncadd.s32 $0xFFFFE000  }
0x54: {  	[spmem:s7] =	stream.linear.scatter [tilespmem:s13], [sflag:$0x5], $0x2000, $0x38;
	[tilespmem:$0x18080] =	vst v63  }
0x55: {  	_ =	swait.ge [sflag:s21], $0x2000  }
0x56: {  	[sflag:s21] =	ssyncset.done $0x0  }
0x57: {  	[sflag:s21] =	ssyncadd.s32 $0xFFFFE000  }
0x58: {  	[spmem:s8] =	stream.linear.scatter [tilespmem:s13], [sflag:$0x5], $0x2000, $0x38;
	[tilespmem:$0x18080] =	vst v63  }
0x59: {  	_ =	swait.ge [sflag:s21], $0x2000  }
0x5a: {  	[sflag:s21] =	ssyncset.done $0x0  }
0x5b: {  	[sflag:s21] =	ssyncadd.s32 $0xFFFFE000  }
0x5c: {  	[spmem:s9] =	stream.linear.scatter [tilespmem:s13], [sflag:$0x5], $0x2000, $0x38;
	[tilespmem:$0x18080] =	vst v63  }
0x5d: {  	_ =	swait.ge [sflag:s21], $0x2000  }
0x5e: {  	[sflag:s21] =	ssyncset.done $0x0  }
0x5f: {  	[sflag:s21] =	ssyncadd.s32 $0xFFFFE000  }
0x60: {  	[spmem:s10] =	stream.linear.scatter [tilespmem:s13], [sflag:$0x5], $0x2000, $0x38;
	[tilespmem:$0x18080] =	vst v63  }
0x61: {  	_ =	swait.ge [sflag:s21], $0x2000  }
0x62: {  	[sflag:s21] =	ssyncset.done $0x0  }
0x63: {  	[sflag:s21] =	ssyncadd.s32 $0xFFFFE000  }
0x64: {  	[spmem:s12] =	stream.linear.scatter [tilespmem:s13], [sflag:$0x5], $0x2000, $0x38;
	[tilespmem:$0x18080] =	vst v63  }
0x65: {  	_ =	swait.ge [sflag:s21], $0x2000  }
0x66: {  	[sflag:s21] =	ssyncset.done $0x0  }
0x67: {  	[sflag:s21] =	ssyncadd.s32 $0xFFFFE000  }
0x68: {  	[bflag:$0x0] =	sbarrier.arrive $0xFFFF  }
0x69: {  	s0 =	simm.s32 $0x0;
	s1 =	rddreg [dreg:$0xf]  }
0x6a: {  	[tilespmem:s0], [sflag:$0x1] =	stream.linear.gather [hbm4b:s1+s0], $0x40, $0x38;
	[tilespmem:$0x18080] =	vst v63  }
0x6b: {  	s15 =	rddreg [dreg:$0xd]  }
0x6c: {  	[tilespmem:s13], [sflag:$0x1] =	stream.linear.gather [hbm4b:s15+s0], $0x2000, $0x38;
	[tilespmem:$0x18080] =	vst v63  }
0x6d: {  	s15 =	rddreg [dreg:$0x10]  }
0x6e: {  	[tilespmem:s22], [sflag:$0x2] =	stream.linear.gather [hbm4b:s15+s0], $0x40, $0x38;
	[tilespmem:$0x18080] =	vst v63  }
0x6f: {  	s15 =	rddreg [dreg:$0xe]  }
0x70: {  	[tilespmem:s23], [sflag:$0x2] =	stream.linear.gather [hbm4b:s15+s0], $0x2000, $0x38;
	[tilespmem:$0x18080] =	vst v63  }
0x71: {  	_ =	swait.ge [sflag:s24], $0x40  }
0x72: {  	[sflag:s24] =	ssyncset.done $0x0  }
0x73: {  	[sflag:s24] =	ssyncadd.s32 $0xFFFFFFC0  }
0x74: {  	_ =	swait.ge [sflag:s24], $0x2000  }
0x75: {  	[sflag:s24] =	ssyncset.done $0x0  }
0x76: {  	[sflag:s24] =	ssyncadd.s32 $0xFFFFE000  }
0x77: {  	[spmem:s16] =	stream.indirect.scatter.add.f32 [tilespmem:s13], [sflag:$0x3], $0x80, s11, s22, $0xb8;
	[tilespmem:$0x18080] =	vst v63  }
0x78: {  	_ =	swait.ge [sflag:s25], $0x2000  }
0x79: {  	s1 =	sshrl.u32 s14, $0x3;
	[sflag:s25] =	ssyncset.done $0x0  }
0x7a: {  	s0 =	sadd.s32 s19, s1;
	[sflag:s25] =	ssyncadd.s32 $0xFFFFE000  }
0x7b: {  	[tilespmem:s11], [sflag:$0x1] =	stream.linear.gather [hbm4b:s0+s11], $0x40, $0x38;
	[tilespmem:$0x18080] =	vst v63  }
0x7c: {  	s15 =	sadd.s32 $0x0, s18  }
0x7d: {  	[tilespmem:s13], [sflag:$0x1] =	stream.linear.gather [hbm4b:s15+s11], $0x2000, $0x38;
	[tilespmem:$0x18080] =	vst v63  }
0x7e: {  	_ =	swait.ge [sflag:s26], $0x40  }
0x7f: {  	[sflag:s26] =	ssyncset.done $0x0  }
0x80: {  	[sflag:s26] =	ssyncadd.s32 $0xFFFFFFC0  }
0x81: {  	_ =	swait.ge [sflag:s26], $0x2000  }
0x82: {  	[sflag:s26] =	ssyncset.done $0x0  }
0x83: {  	[sflag:s26] =	ssyncadd.s32 $0xFFFFE000  }
0x84: {  	[spmem:s16] =	stream.indirect.scatter.add.f32 [tilespmem:s23], [sflag:$0x4], $0x80, s22, s22, $0xb8;
	[tilespmem:$0x18080] =	vst v63  }
0x85: {  	_ =	swait.ge [sflag:s28], $0x2000  }
0x86: {  	s30 =	simm.s32 $0x800;
	s31 =	sadd.s32 $0x10, s2;
	[sflag:s28] =	ssyncset.done $0x0  }
0x87: {  	s0 =	sadd.s32 $0x0, s17;
	s15 =	sadd.s32 $0x80, s14;
	[sflag:s28] =	ssyncadd.s32 $0xFFFFE000  }
0x88: {  	[tilespmem:s22], [sflag:$0x2] =	stream.linear.gather [hbm4b:s2+s11], $0x40, $0x38;
	[tilespmem:$0x18080] =	vst v63  }
.LBB2_4:
0x89: {  	[tilespmem:s23], [sflag:$0x2] =	stream.linear.gather [hbm4b:s0+s11], $0x2000, $0x38;
	[tilespmem:$0x18080] =	vst v63  }
0x8a: {  	s0 =	smov.u32 s30  }
0x8b: {  	p0 =	sne.s32 s30, $0x26800;
	s30 =	sadd.s32 $0x800, s30;
	_ =	swait.ge [sflag:s24], $0x40  }
0x8c: {  	[sflag:s24] =	ssyncset.done $0x0  }
0x8d: {  	[sflag:s24] =	ssyncadd.s32 $0xFFFFFFC0  }
0x8e: {  	_ =	swait.ge [sflag:s24], $0x2000  }
0x8f: {  	[sflag:s24] =	ssyncset.done $0x0  }
0x90: {  	[sflag:s24] =	ssyncadd.s32 $0xFFFFE000  }
0x91: {  	[spmem:s16] =	stream.indirect.scatter.add.f32 [tilespmem:s13], [sflag:$0x3], $0x80, s11, s22, $0xb8;
	[tilespmem:$0x18080] =	vst v63  }
0x92: {  	_ =	swait.ge [sflag:s25], $0x2000  }
0x93: {  	s1 =	sshrl.u32 s15, $0x3;
	[sflag:s25] =	ssyncset.done $0x0  }
0x94: {  	s1 =	sadd.s32 s19, s1;
	[sflag:s25] =	ssyncadd.s32 $0xFFFFE000  }
0x95: {  	[tilespmem:s11], [sflag:$0x1] =	stream.linear.gather [hbm4b:s1+s11], $0x40, $0x38;
	[tilespmem:$0x18080] =	vst v63  }
0x96: {  	s1 =	sadd.s32 s0, s18  }
0x97: {  	[tilespmem:s13], [sflag:$0x1] =	stream.linear.gather [hbm4b:s1+s11], $0x2000, $0x38;
	[tilespmem:$0x18080] =	vst v63  }
0x98: {  	_ =	swait.ge [sflag:s26], $0x40  }
0x99: {  	[sflag:s26] =	ssyncset.done $0x0  }
0x9a: {  	[sflag:s26] =	ssyncadd.s32 $0xFFFFFFC0  }
0x9b: {  	_ =	swait.ge [sflag:s26], $0x2000  }
0x9c: {  	[sflag:s26] =	ssyncset.done $0x0  }
0x9d: {  	[sflag:s26] =	ssyncadd.s32 $0xFFFFE000  }
0x9e: {  	[spmem:s16] =	stream.indirect.scatter.add.f32 [tilespmem:s23], [sflag:$0x4], $0x80, s22, s22, $0xb8;
	[tilespmem:$0x18080] =	vst v63  }
.Ltmp1:
0x9f: {  	_ =	swait.ge [sflag:s28], $0x2000;
	(pc) =	sbr.rel @p0 .LBB2_4-.Ltmp1, $4  }
0xa0: {  	[sflag:s28] =	ssyncset.done $0x0  }
0xa1: {  	[sflag:s28] =	ssyncadd.s32 $0xFFFFE000  }
0xa2: {  	[tilespmem:s22], [sflag:$0x2] =	stream.linear.gather [hbm4b:s31+s11], $0x40, $0x38;
	[tilespmem:$0x18080] =	vst v63  }
0xa3: {  	s15 =	sadd.s32 $0x80, s15;
	s0 =	sadd.s32 s0, s17;
	s31 =	sadd.s32 $0x10, s31  }
0xa4: {  	[tilespmem:s23], [sflag:$0x2] =	stream.linear.gather [hbm4b:s0+s11], $0x2000, $0x38;
	[tilespmem:$0x18080] =	vst v63  }
0xa5: {  	_ =	swait.ge [sflag:s24], $0x40  }
0xa6: {  	[sflag:s24] =	ssyncset.done $0x0  }
0xa7: {  	[sflag:s24] =	ssyncadd.s32 $0xFFFFFFC0  }
0xa8: {  	_ =	swait.ge [sflag:s24], $0x2000  }
0xa9: {  	[sflag:s24] =	ssyncset.done $0x0  }
0xaa: {  	[sflag:s24] =	ssyncadd.s32 $0xFFFFE000  }
0xab: {  	[spmem:s16] =	stream.indirect.scatter.add.f32 [tilespmem:s13], [sflag:$0x3], $0x80, s11, s22, $0xb8;
	[tilespmem:$0x18080] =	vst v63  }
0xac: {  	_ =	swait.ge [sflag:s26], $0x40  }
0xad: {  	[sflag:s26] =	ssyncset.done $0x0  }
0xae: {  	[sflag:s26] =	ssyncadd.s32 $0xFFFFFFC0  }
0xaf: {  	_ =	swait.ge [sflag:s26], $0x2000  }
0xb0: {  	[sflag:s26] =	ssyncset.done $0x0  }
0xb1: {  	[sflag:s26] =	ssyncadd.s32 $0xFFFFE000  }
0xb2: {  	[spmem:s16] =	stream.indirect.scatter.add.f32 [tilespmem:s23], [sflag:$0x4], $0x80, s22, s22, $0xb8;
	[tilespmem:$0x18080] =	vst v63  }
0xb3: {  	_ =	swait.ge [sflag:s25], $0x2000  }
0xb4: {  	[sflag:s25] =	ssyncset.done $0x0  }
0xb5: {  	[sflag:s25] =	ssyncadd.s32 $0xFFFFE000  }
0xb6: {  	_ =	swait.ge [sflag:s28], $0x2000  }
0xb7: {  	[sflag:s28] =	ssyncset.done $0x0  }
0xb8: {  	[sflag:s28] =	ssyncadd.s32 $0xFFFFE000  }
0xb9: {  	[bflag:$0x0] =	sbarrier.arrive $0xFFFF  }
0xba: {  	s31 =	rddreg [dreg:$0x11]  }
0xbb: {  	[tilespmem:s13], [sflag:$0x5] =	stream.linear.gather [spmem:s31], $0x2000, $0x38;
	[tilespmem:$0x18080] =	vst v63  }
0xbc: {  	_ =	swait.ge [sflag:s21], $0x2000  }
0xbd: {  	[sflag:s21] =	ssyncset.done $0x0  }
0xbe: {  	s1 =	rddreg [dreg:$0x3];
	[sflag:s21] =	ssyncadd.s32 $0xFFFFE000  }
0xbf: {  	[hbm4b:s1+s11] =	stream.linear.scatter [tilespmem:s13], [sflag:$0x5], $0x2000, $0x38;
	[tilespmem:$0x18080] =	vst v63  }
0xc0: {  	_ =	swait.ge [sflag:s21], $0x2000  }
0xc1: {  	[sflag:s21] =	ssyncset.done $0x0  }
0xc2: {  	s15 =	rddreg [dreg:$0x13];
	[sflag:s21] =	ssyncadd.s32 $0xFFFFE000  }
0xc3: {  	[tilespmem:s13], [sflag:$0x5] =	stream.linear.gather [spmem:s15], $0x2000, $0x38;
	[tilespmem:$0x18080] =	vst v63  }
0xc4: {  	_ =	swait.ge [sflag:s21], $0x2000  }
0xc5: {  	[sflag:s21] =	ssyncset.done $0x0  }
0xc6: {  	s30 =	rddreg [dreg:$0x4];
	[sflag:s21] =	ssyncadd.s32 $0xFFFFE000  }
0xc7: {  	[hbm4b:s30+s11] =	stream.linear.scatter [tilespmem:s13], [sflag:$0x5], $0x2000, $0x38;
	[tilespmem:$0x18080] =	vst v63  }
0xc8: {  	_ =	swait.ge [sflag:s21], $0x2000  }
0xc9: {  	[sflag:s21] =	ssyncset.done $0x0  }
0xca: {  	s31 =	rddreg [dreg:$0x14];
	[sflag:s21] =	ssyncadd.s32 $0xFFFFE000  }
0xcb: {  	[tilespmem:s13], [sflag:$0x5] =	stream.linear.gather [spmem:s31], $0x2000, $0x38;
	[tilespmem:$0x18080] =	vst v63  }
0xcc: {  	_ =	swait.ge [sflag:s21], $0x2000  }
0xcd: {  	[sflag:s21] =	ssyncset.done $0x0  }
0xce: {  	s1 =	rddreg [dreg:$0x5];
	[sflag:s21] =	ssyncadd.s32 $0xFFFFE000  }
0xcf: {  	[hbm4b:s1+s11] =	stream.linear.scatter [tilespmem:s13], [sflag:$0x5], $0x2000, $0x38;
	[tilespmem:$0x18080] =	vst v63  }
0xd0: {  	_ =	swait.ge [sflag:s21], $0x2000  }
0xd1: {  	[sflag:s21] =	ssyncset.done $0x0  }
0xd2: {  	s15 =	rddreg [dreg:$0x15];
	[sflag:s21] =	ssyncadd.s32 $0xFFFFE000  }
0xd3: {  	[tilespmem:s13], [sflag:$0x5] =	stream.linear.gather [spmem:s15], $0x2000, $0x38;
	[tilespmem:$0x18080] =	vst v63  }
0xd4: {  	_ =	swait.ge [sflag:s21], $0x2000  }
0xd5: {  	[sflag:s21] =	ssyncset.done $0x0  }
0xd6: {  	s30 =	rddreg [dreg:$0x6];
	[sflag:s21] =	ssyncadd.s32 $0xFFFFE000  }
0xd7: {  	[hbm4b:s30+s11] =	stream.linear.scatter [tilespmem:s13], [sflag:$0x5], $0x2000, $0x38;
	[tilespmem:$0x18080] =	vst v63  }
0xd8: {  	_ =	swait.ge [sflag:s21], $0x2000  }
0xd9: {  	[sflag:s21] =	ssyncset.done $0x0  }
0xda: {  	s31 =	rddreg [dreg:$0x16];
	[sflag:s21] =	ssyncadd.s32 $0xFFFFE000  }
0xdb: {  	[tilespmem:s13], [sflag:$0x5] =	stream.linear.gather [spmem:s31], $0x2000, $0x38;
	[tilespmem:$0x18080] =	vst v63  }
0xdc: {  	_ =	swait.ge [sflag:s21], $0x2000  }
0xdd: {  	[sflag:s21] =	ssyncset.done $0x0  }
0xde: {  	s1 =	rddreg [dreg:$0x7];
	[sflag:s21] =	ssyncadd.s32 $0xFFFFE000  }
0xdf: {  	[hbm4b:s1+s11] =	stream.linear.scatter [tilespmem:s13], [sflag:$0x5], $0x2000, $0x38;
	[tilespmem:$0x18080] =	vst v63  }
0xe0: {  	_ =	swait.ge [sflag:s21], $0x2000  }
0xe1: {  	[sflag:s21] =	ssyncset.done $0x0  }
0xe2: {  	s15 =	rddreg [dreg:$0x17];
	[sflag:s21] =	ssyncadd.s32 $0xFFFFE000  }
0xe3: {  	[tilespmem:s13], [sflag:$0x5] =	stream.linear.gather [spmem:s15], $0x2000, $0x38;
	[tilespmem:$0x18080] =	vst v63  }
0xe4: {  	_ =	swait.ge [sflag:s21], $0x2000  }
0xe5: {  	[sflag:s21] =	ssyncset.done $0x0  }
0xe6: {  	s30 =	rddreg [dreg:$0x8];
	[sflag:s21] =	ssyncadd.s32 $0xFFFFE000  }
0xe7: {  	[hbm4b:s30+s11] =	stream.linear.scatter [tilespmem:s13], [sflag:$0x5], $0x2000, $0x38;
	[tilespmem:$0x18080] =	vst v63  }
0xe8: {  	_ =	swait.ge [sflag:s21], $0x2000  }
0xe9: {  	[sflag:s21] =	ssyncset.done $0x0  }
0xea: {  	s31 =	rddreg [dreg:$0x18];
	[sflag:s21] =	ssyncadd.s32 $0xFFFFE000  }
0xeb: {  	[tilespmem:s13], [sflag:$0x5] =	stream.linear.gather [spmem:s31], $0x2000, $0x38;
	[tilespmem:$0x18080] =	vst v63  }
0xec: {  	_ =	swait.ge [sflag:s21], $0x2000  }
0xed: {  	[sflag:s21] =	ssyncset.done $0x0  }
0xee: {  	s1 =	rddreg [dreg:$0x9];
	[sflag:s21] =	ssyncadd.s32 $0xFFFFE000  }
0xef: {  	[hbm4b:s1+s11] =	stream.linear.scatter [tilespmem:s13], [sflag:$0x5], $0x2000, $0x38;
	[tilespmem:$0x18080] =	vst v63  }
0xf0: {  	_ =	swait.ge [sflag:s21], $0x2000  }
0xf1: {  	[sflag:s21] =	ssyncset.done $0x0  }
0xf2: {  	s15 =	rddreg [dreg:$0x19];
	[sflag:s21] =	ssyncadd.s32 $0xFFFFE000  }
0xf3: {  	[tilespmem:s13], [sflag:$0x5] =	stream.linear.gather [spmem:s15], $0x2000, $0x38;
	[tilespmem:$0x18080] =	vst v63  }
0xf4: {  	_ =	swait.ge [sflag:s21], $0x2000  }
0xf5: {  	[sflag:s21] =	ssyncset.done $0x0  }
0xf6: {  	s30 =	rddreg [dreg:$0xa];
	[sflag:s21] =	ssyncadd.s32 $0xFFFFE000  }
0xf7: {  	[hbm4b:s30+s11] =	stream.linear.scatter [tilespmem:s13], [sflag:$0x5], $0x2000, $0x38;
	[tilespmem:$0x18080] =	vst v63  }
0xf8: {  	_ =	swait.ge [sflag:s21], $0x2000  }
0xf9: {  	[sflag:s21] =	ssyncset.done $0x0  }
0xfa: {  	s31 =	rddreg [dreg:$0x1a];
	[sflag:s21] =	ssyncadd.s32 $0xFFFFE000  }
0xfb: {  	[tilespmem:s13], [sflag:$0x5] =	stream.linear.gather [spmem:s31], $0x2000, $0x38;
	[tilespmem:$0x18080] =	vst v63  }
0xfc: {  	_ =	swait.ge [sflag:s21], $0x2000  }
0xfd: {  	[sflag:s21] =	ssyncset.done $0x0  }
0xfe: {  	s1 =	rddreg [dreg:$0xb];
	[sflag:s21] =	ssyncadd.s32 $0xFFFFE000  }
0xff: {  	[hbm4b:s1+s11] =	stream.linear.scatter [tilespmem:s13], [sflag:$0x5], $0x2000, $0x38;
	[tilespmem:$0x18080] =	vst v63  }
0x100: {  	_ =	swait.ge [sflag:s21], $0x2000  }
0x101: {  	[sflag:s21] =	ssyncset.done $0x0  }
0x102: {  	s15 =	rddreg [dreg:$0x1b];
	[sflag:s21] =	ssyncadd.s32 $0xFFFFE000  }
0x103: {  	[tilespmem:s13], [sflag:$0x5] =	stream.linear.gather [spmem:s15], $0x2000, $0x38;
	[tilespmem:$0x18080] =	vst v63  }
0x104: {  	_ =	swait.ge [sflag:s21], $0x2000  }
0x105: {  	[sflag:s21] =	ssyncset.done $0x0  }
0x106: {  	s30 =	rddreg [dreg:$0xc];
	[sflag:s21] =	ssyncadd.s32 $0xFFFFE000  }
0x107: {  	[hbm4b:s30+s11] =	stream.linear.scatter [tilespmem:s13], [sflag:$0x5], $0x2000, $0x38;
	[tilespmem:$0x18080] =	vst v63  }
0x108: {  	_ =	swait.ge [sflag:s21], $0x2000  }
0x109: {  	s29 =	sadd.s32 $0x1, s29;
	s31 =	rddreg [dreg:$0x12]  }
0x10a: {  	p0 =	sne.s32 s29, s31  }
.Ltmp2:
0x10b: {  	_ = 	snop;
	(pc) =	sbr.rel @p0 .LBB2_1-.Ltmp2, $3  }
0x10c: {  	_ =	sdelay $0x1  }
0x10d: {  	[sflag:s21] =	ssyncset.done $0x0  }
0x10e: {  	[sflag:s21] =	ssyncadd.s32 $0xFFFFE000  }
0x10f: {  	_ =	sfence.sel $0x180000  }
0x110: {  	[bflag:$0x0] =	sbarrier.arrive $0xFFFF  }
0x111: {  	_ =	strace $0x9000004A  }
0x112: {  	s0 =	stileid.u32;
	[bflag:$0x2] =	sbarrier.arrive $0xFFFF  }
0x113: {  	p0 =	sne.s32 s0, $0x0;
	s0 =	rddreg [dreg:$0x2]  }
0x114: {  	s0 =	sadd.s32 @!p0 $0x100000, s0  }
0x115: {  	[sflag:s0] =	ssyncadd.tile.s32 @!p0 $0x1;
	_ =	shalt  }
.Lfunc_end2:
_tile_overlayer_lowered:
.L_overlay_start_2:
0x116: {  	(tag) =	ssettag $0x2  }
0x117: {  	s0 =	rddreg [dreg:$0x0];
	s2 =	stileid.u32  }
0x118: {  	s1 =	rddreg [dreg:$0x1];
	p0 =	sne.s32 s2, $0x0  }
0x119: {  	s3 =	rddreg [dreg:$0x2];
	[bflag:$0x3] =	sbarrier.arrive $0xFFFF;
	s2 =	simm.s32 @!p0 $0x1C05  }
0x11a: {  	[timem:s3], [sflag:s2] =	dma.local @!p0 [hbm:s0], s1  }
0x11b: {  	s0 =	simm.s32 @!p0 $0x5  }
0x11c: {  	_ =	swait.ge @!p0 [sflag:s0], s1  }
0x11d: {  	s1 =	ssub.s32 @!p0 $0x0, s1;
	[sflag:s0] =	ssyncset.done @!p0 $0x0  }
0x11e: {  	[sflag:s0] =	ssyncadd.s32 @!p0 s1  }
0x11f: {  	[bflag:$0x3] =	sbarrier.arrive $0xFFFF  }
0x120: {  	_ =	shalt  }

// kernel: kernel.7.cloned.1.call-start
scs
__scs_entry_jumppad:
0x0: {  	(pc) =	sbr.rel $0x88, $3  }
0x1: {  	(tag) =	ssettag $0x0;
	lr =	simm.s32 $0x1  }
0x2: {  	[smem:$0x3F96] =	sst lr;
	_ =	strace $0xD0000000  }
0x3: {  	_ = 	snop  }
0x4: {  	_ = 	snop  }
0x5: {  	_ = 	snop  }
0x6: {  	_ = 	snop  }
0x7: {  	_ = 	snop  }
__scs_overlays_trampoline_lowered:
0x8: {  	[smem:$0x3FA5] =	sst s0  }
0x9: {  	[smem:$0x3FA6] =	sst s1  }
0xa: {  	[smem:$0x3FA7] =	sst s2  }
0xb: {  	[smem:$0x3FA8] =	sst s3  }
0xc: {  	[smem:$0x3FA9] =	sst s4  }
0xd: {  	[smem:$0x3FAA] =	sst s5  }
0xe: {  	[smem:$0x3FAB] =	sst s6  }
0xf: {  	[smem:$0x3FAC] =	sst s7  }
0x10: {  	[smem:$0x3FAD] =	sst s8  }
0x11: {  	[smem:$0x3FAE] =	sst s9;
	s0 =	simm.s32 @!p0 $0x0  }
0x12: {  	s1 =	sld [smem:$0x3F94];
	s0 =	simm.s32 @p0 $0x1  }
0x13: {  	[smem:$0x3FAF] =	sst s0;
	s0 =	simm.s32 @!p1 $0x0  }
0x14: {  	s2 =	sld [smem:$0x3F93];
	s0 =	simm.s32 @p1 $0x1  }
0x15: {  	[smem:$0x3FB0] =	sst s0;
	s0 =	simm.s32 @!p2 $0x0  }
0x16: {  	s3 =	sld [smem:$0x3FDB];
	s0 =	simm.s32 @p2 $0x1  }
0x17: {  	s4 =	simm.s32 $0x1BF5;
	[smem:$0x3FB2] =	sst s0  }
0x18: {  	s0 =	sld [smem:$0x3F95];
	_ =	swait.ge [sflag:s4], $0x0  }
0x19: {  	s7 =	sld [smem:$0x3F96]  }
0x1a: {  	s8 =	sadd.s32 $0xFFFFE003, lr  }
0x1b: {  	s9 =	sadd.s32 $0xFFFFFEF7, lr;
	s5 =	simm.s32 $0xFFFFFFFF;
	p2 =	slt.u32 s8, $0xFFFFF086  }
0x1c: {  	p1 =	slt.u32 s9, $0xF7A;
	s5 =	simm.s32 @!p2 $0x0  }
0x1d: {  	s5 =	simm.s32 @p1 $0x1;
	p0 =	seq.s32 s7, s2  }
0x1e: {  	s7 =	smul.u32 @!p0 $0xF7A, s2;
	p2 =	seq.s32 @!p0 s5, $0x0  }
0x1f: {  	s9 =	smul.u32 $0xF7A, s1;
	s8 =	simm.s32 @!p0 $0x1BF5;
	p2 =	por !p2, p0  }
0x20: {  	[sflag:s8] =	ssyncset.s32 @!p0 $0xFFFFF086;
	s6 =	sadd.s32 @!p0 s3, s7;
	s7 =	simm.s32 @!p0 $0x108  }
0x21: {  	s3 =	sadd.s32 s3, s9;
	s6 =	sadd.s32 @!p0 $0x88, s6;
	s7 =	simm.s32 @p2 $0x1082  }
0x22: {  	[simem:s7], [sflag:s8] =	dma.local @!p0 [hbm:s6], $0xF7A  }
0x23: {  	s9 =	sor.u32 $0xD0000000, s2;
	s6 =	simm.s32 $0x108;
	_ =	swait.ge @!p0 [sflag:s8], $0x0  }
0x24: {  	s3 =	sadd.s32 $0x88, s3;
	s6 =	simm.s32 @!p1 $0x1082;
	[sflag:s4] =	ssyncset.s32 $0xFFFFF086  }
0x25: {  	[simem:s6], [sflag:s4] =	dma.local [hbm:s3], $0xF7A  }
0x26: {  	[smem:$0x3F96] =	sst s1;
	(tag) =	ssettag s2;
	_ =	strace s9  }
0x27: {  	s1 =	sld [smem:$0x3FA6]  }
0x28: {  	s2 =	sld [smem:$0x3FA7]  }
0x29: {  	s4 =	sld [smem:$0x3FA9]  }
0x2a: {  	p0 =	seq.s32 s5, $0x0;
	s5 =	sld [smem:$0x3FAA]  }
0x2b: {  	s6 =	sld [smem:$0x3FAB]  }
0x2c: {  	s7 =	sld [smem:$0x3FAC]  }
0x2d: {  	s3 =	simm.s32 $0x108;
	s8 =	sld [smem:$0x3FAD]  }
0x2e: {  	s3 =	simm.s32 @!p0 $0x1082;
	s9 =	sld [smem:$0x3FAE]  }
0x2f: {  	lr =	sadd.s32 s0, s3;
	s0 =	sld [smem:$0x3FA5]  }
0x30: {  	s3 =	sld [smem:$0x3FA8]  }
0x31: {  	[smem:$0x3FB1] =	sst s10  }
0x32: {  	s10 =	sld [smem:$0x3FAF];
	_ =	sdelay $0x3  }
0x33: {  	p0 =	seq.s32 s10, $0x1;
	s10 =	sld [smem:$0x3FB1];
	_ =	sdelay $0x3  }
0x34: {  	[smem:$0x3FB1] =	sst s10  }
0x35: {  	s10 =	sld [smem:$0x3FB0];
	_ =	sdelay $0x3  }
0x36: {  	p1 =	seq.s32 s10, $0x1;
	s10 =	sld [smem:$0x3FB1];
	_ =	sdelay $0x3  }
0x37: {  	[smem:$0x3FB1] =	sst s10  }
0x38: {  	s10 =	sld [smem:$0x3FB2]  }
0x39: {  	_ = 	snop;
	(pc) =	sbr.ind lr, $3  }
0x3a: {  	_ = 	snop  }
0x3b: {  	_ = 	snop  }
0x3c: {  	p2 =	seq.s32 s10, $0x1;
	s10 =	sld [smem:$0x3FB1]  }
0x3d: {  	_ =	shalt  }
0x3e: {  	_ =	shalt  }
0x3f: {  	_ =	shalt  }
0x40: {  	_ =	shalt  }
0x41: {  	_ =	shalt  }
0x42: {  	_ =	shalt  }
0x43: {  	_ =	shalt  }
0x44: {  	_ =	shalt  }
0x45: {  	_ =	shalt  }
0x46: {  	_ =	shalt  }
0x47: {  	_ =	shalt  }
0x48: {  	_ =	shalt  }
0x49: {  	_ =	shalt  }
0x4a: {  	_ =	shalt  }
0x4b: {  	_ =	shalt  }
0x4c: {  	_ =	shalt  }
0x4d: {  	_ =	shalt  }
0x4e: {  	_ =	shalt  }
0x4f: {  	_ =	shalt  }
0x50: {  	_ =	shalt  }
0x51: {  	_ =	shalt  }
0x52: {  	_ =	shalt  }
0x53: {  	_ =	shalt  }
0x54: {  	_ =	shalt  }
0x55: {  	_ =	shalt  }
0x56: {  	_ =	shalt  }
0x57: {  	_ =	shalt  }
0x58: {  	_ =	shalt  }
0x59: {  	_ =	shalt  }
0x5a: {  	_ =	shalt  }
0x5b: {  	_ =	shalt  }
0x5c: {  	_ =	shalt  }
0x5d: {  	_ =	shalt  }
0x5e: {  	_ =	shalt  }
0x5f: {  	_ =	shalt  }
0x60: {  	_ =	shalt  }
0x61: {  	_ =	shalt  }
0x62: {  	_ =	shalt  }
0x63: {  	_ =	shalt  }
0x64: {  	_ =	shalt  }
0x65: {  	_ =	shalt  }
0x66: {  	_ =	shalt  }
0x67: {  	_ =	shalt  }
0x68: {  	_ =	shalt  }
0x69: {  	_ =	shalt  }
0x6a: {  	_ =	shalt  }
0x6b: {  	_ =	shalt  }
0x6c: {  	_ =	shalt  }
0x6d: {  	_ =	shalt  }
0x6e: {  	_ =	shalt  }
0x6f: {  	_ =	shalt  }
0x70: {  	_ =	shalt  }
0x71: {  	_ =	shalt  }
0x72: {  	_ =	shalt  }
0x73: {  	_ =	shalt  }
0x74: {  	_ =	shalt  }
0x75: {  	_ =	shalt  }
0x76: {  	_ =	shalt  }
0x77: {  	_ =	shalt  }
0x78: {  	_ =	shalt  }
0x79: {  	_ =	shalt  }
0x7a: {  	_ =	shalt  }
0x7b: {  	_ =	shalt  }
0x7c: {  	_ =	shalt  }
0x7d: {  	_ =	shalt  }
0x7e: {  	_ =	shalt  }
0x7f: {  	_ =	shalt  }
0x80: {  	_ =	shalt  }
0x81: {  	_ =	shalt  }
0x82: {  	_ =	shalt  }
0x83: {  	_ =	shalt  }
0x84: {  	_ =	shalt  }
0x85: {  	_ =	shalt  }
0x86: {  	_ =	shalt  }
0x87: {  	_ =	shalt  }
.Lfunc_end0:
.L_simem_size_0:
called_computation_lowered:
.L_overlay_start_0:
0x88: {  	s2 =	sld [smem:$0x3FD9]  }
0x89: {  	s3 =	sld [smem:$0x3FFE];
	_ =	sdelay $0x1  }
0x8a: {  	s1 =	srdreg.scid  }
0x8b: {  	s0 =	sand.u32 $0x1, s1  }
0x8c: {  	s17 =	sshll.u32 s0, $0xA;
	s2 =	sadd.s32 s3, s2  }
0x8d: {  	s2 =	sadd.s32 s2, s17  }
0x8e: {  	[smem:$0x3FBD] =	sst s2  }
0x8f: {  	_ = 	snop  }
0x90: {  	s2 =	sld [smem:$0x3FD0];
	(tm) =	ssettm $0x1  }
0x91: {  	s18 =	sld [smem:$0x3FFB];
	_ =	sdelay $0x3  }
0x92: {  	_ =	strace s18  }
0x93: {  	s3 =	sld [smem:$0x3FFC];
	_ =	sdelay $0x3  }
0x94: {  	_ =	strace s3  }
0x95: {  	s3 =	sld [smem:$0x3FFD];
	_ =	sdelay $0x3  }
0x96: {  	_ =	strace s3  }
0x97: {  	_ =	strace $0x8FFFFFFF  }
0x98: {  	s19 =	sld [smem:$0x3FDB];
	_ =	sdelay $0x1  }
0x99: {  	s4 =	simm.s32 $_scs_section_size  }
0x9a: {  	s5 =	simm.s32 $_size__tile_overlayer_lowered;
	s6 =	simm.s32 $_tile_overlayer_lowered  }
0x9b: {  	s22 =	simm.s32 $0x1BFF;
	s21 =	sshll.u32 s6, $0x1;
	s3 =	sadd.s32 s4, s19  }
0x9c: {  	s7 =	simm.s32 $0x0;
	s20 =	sshll.u32 s5, $0x1;
	s5 =	sadd.s32 s21, s3  }
0x9d: {  	[timem:s7], [sflag:s22] =	dma.local [hbm:s5], s20  }
0x9e: {  	_ =	swait.ge [sflag:s22], s20  }
0x9f: {  	s4 =	ssub.s32 $0x0, s20;
	[sflag:s22] =	ssyncset.done $0x0  }
0xa0: {  	[sflag:s22] =	ssyncadd.s32 s4;
	_ =	sdelay $0x1  }
0xa1: {  	s23 =	simm.s32 $0x1B8B  }
0xa2: {  	_ =	swait.ge [sflag:s23], $0x1  }
0xa3: {  	[sflag:s23] =	ssyncset.done $0x0  }
0xa4: {  	s25 =	simm.s32 $0x1B8E;
	s24 =	sld [smem:$0x3FFE];
	[sflag:s23] =	ssyncadd.s32 $0xFFFFFFFF  }
0xa5: {  	s26 =	simm.s32 $execute0_lowered;
	[smem:$0x3FD2] =	sst s25  }
0xa6: {  	s5 =	sshll.u32 s26, $0x1;
	_ =	strace $0x80000046;
	[dreg:$0x1] =	wrdreg $0xFFFFFFFF  }
0xa7: {  	s28 =	simm.s32 $_size_execute0_lowered;
	s3 =	sadd.s32 s3, s5;
	[dreg:$0x0] =	wrdreg $0x0  }
0xa8: {  	s5 =	sshll.u32 s28, $0x1;
	[dreg:$0x2] =	wrdreg s3  }
0xa9: {  	[dreg:$0x3] =	wrdreg s5  }
0xaa: {  	[dreg:$0x4] =	wrdreg $0xC0  }
0xab: {  	_ =	task [dreg:s7], $0x5FFFF  }
0xac: {  	[dreg:$0x1] =	wrdreg $0xFFFFFFFF  }
0xad: {  	[dreg:$0x0] =	wrdreg $0x60  }
0xae: {  	[dreg:$0x2] =	wrdreg s24  }
0xaf: {  	[dreg:$0x3] =	wrdreg s2  }
0xb0: {  	[dreg:$0x4] =	wrdreg $0x9  }
0xb1: {  	_ =	task.clear_ibuf [dreg:s7], $0x5FFFF;
	_ =	strace $0x90000046  }
0xb2: {  	s29 =	simm.s32 $0x9;
	_ =	strace $0x80000048  }
0xb3: {  	_ =	swait.ge [sflag:s29], $0x1  }
0xb4: {  	[sflag:s29] =	ssyncadd.s32 $0xFFFFFFFF  }
0xb5: {  	_ =	strace $0x90000048  }
0xb6: {  	_ =	sfence  }
0xb7: {  	s30 =	sld [smem:$0x0];
	_ =	sdelay $0x2  }
0xb8: {  	s31 =	sshll.u32 s1, $0xD;
	s1 =	sshrl.u32 s1, $0x2  }
0xb9: {  	s3 =	sand.u32 $0x4000, s31;
	s1 =	sadd.s32 s1, s30  }
0xba: {  	s0 =	sor.u32 s3, s0;
	s1 =	sshll.u32 s1, $0x11  }
0xbb: {  	s0 =	sor.u32 s1, s0  }
0xbc: {  	s0 =	sadd.s32 $0x8F2B, s0  }
0xbd: {  	[sflag:s0] =	ssyncadd.remote.s32 $0x1  }
0xbe: {  	_ =	sfence.sel $0xFFFF  }
0xbf: {  	[dreg:$0x0] =	wrdreg $0xFFFFFFFF;
	(pc) =	sbr.abs _section_cstart, $3  }
0xc0: {  	[dreg:$0x1] =	wrdreg $0xFFFFFFFF  }
0xc1: {  	_ =	task.clear_ibuf [dreg:s7], $0x2FFFF;
	_ =	strace $0x9FFFFFFF  }
0xc2: {  	(tm) =	ssettm $0x7FFFFFFF  }
0xc3: {  	_ =	shalt  }
tec
execute0_lowered:
.L_overlay_start_1:
0x0: {  	(tag) =	ssettag $0x1  }
0x1: {  	s0 =	rddreg [dreg:$0x0]  }
0x2: {  	s2 =	rddreg [dreg:$0x1]  }
0x3: {  	s3 =	simm.s32 $0x0;
	s1 =	srdreg.scid;
	s4 =	stileid.u32  }
0x4: {  	s19 =	simm.s32 $0x40;
	s22 =	simm.s32 $0xC0;
	s23 =	simm.s32 $0x3  }
0x5: {  	s24 =	simm.s32 $0x2;
	s30 =	simm.s32 $0x4;
	s20 =	simm.s32 $0x6  }
0x6: {  	s1 =	sand.u32 $0x1, s1;
	s4 =	sshll.u32 s4, $0x1;
	s5 =	sadd.s32 $0x50A00, s0  }
0x7: {  	s7 =	sadd.s32 $0x2E800, s0;
	s6 =	sor.u32 s1, s4;
	s1 =	ssub.s32 $0x2, s1  }
0x8: {  	s8 =	sadd.s32 $0x11AA00, s0;
	s6 =	smul.u32 $0x2780, s6;
	s26 =	sshrl.u32 s1, $0x1  }
0x9: {  	s9 =	sadd.s32 $0x7CA00, s0;
	s4 =	sadd.s32 $0x2800, s0;
	s0 =	ssub.s32 s1, s26  }
0xa: {  	[smem:$0x7FF] =	sst s3;
	s10 =	sshrl.u32 s6, $0x3;
	s0 =	smax.u32 s0, $0x1  }
0xb: {  	_ =	strace $0x80000047;
	s28 =	sadd.s32 s2, s10;
	[dreg:$0x7] =	wrdreg s0  }
0xc: {  	s29 =	sor.u32 $0x8, s10;
	s10 =	sadd.s32 s7, s10;
	[dreg:$0x3] =	wrdreg s28  }
0xd: {  	s14 =	sadd.s32 $0x80, s6;
	[dreg:$0x4] =	wrdreg s10;
	s31 =	sadd.s32 s2, s29  }
0xe: {  	s15 =	sadd.s32 $0xC0, s6;
	s1 =	sadd.s32 s7, s29;
	[dreg:$0x5] =	wrdreg s31  }
0xf: {  	s0 =	simm.s32 $0xD500;
	s10 =	simm.s32 $0x0;
	[dreg:$0x6] =	wrdreg s1  }
.LBB2_1:
0x10: {  	[dreg:$0x8] =	wrdreg s10  }
0x11: {  	s1 =	rddreg [dreg:$0x3]  }
0x12: {  	[tilespmem:s3], [sflag:$0x1] =	stream.linear.gather [hbm4b:s1+s3], $0x40, $0x38;
	[tilespmem:$0xD900] =	vst v63  }
0x13: {  	s18 =	rddreg [dreg:$0x4];
	s21 =	simm.s32 $0x80;
	s25 =	simm.s32 $0x1  }
0x14: {  	[tilespmem:s21], [sflag:$0x1] =	stream.linear.gather [hbm4b:s18+s3], $0x40, $0x38;
	[tilespmem:$0xD900] =	vst v63  }
0x15: {  	_ =	swait.ge [sflag:s25], $0x40  }
0x16: {  	[sflag:s25] =	ssyncset.done $0x0  }
0x17: {  	[sflag:s25] =	ssyncadd.s32 $0xFFFFFFC0  }
0x18: {  	_ =	swait.ge [sflag:s25], $0x40  }
0x19: {  	[sflag:s25] =	ssyncset.done $0x0  }
0x1a: {  	s26 =	simm.s32 $0x100;
	[sflag:s25] =	ssyncadd.s32 $0xFFFFFFC0  }
0x1b: {  	[tilespmem:s26], [sflag:$0x3] =	stream.indirect.gather [hbm4b:s4+s19], $0x90, s3, s19, $0xb8;
	[tilespmem:$0xD900] =	vst v63  }
0x1c: {  	s28 =	simm.s32 $0x4900  }
0x1d: {  	[tilespmem:s28], [sflag:$0x3] =	stream.indirect.gather [hbm4b:s5+s19], $0x90, s21, s19, $0xb8;
	[tilespmem:$0xD900] =	vst v63  }
0x1e: {  	s29 =	rddreg [dreg:$0x5]  }
0x1f: {  	[tilespmem:s19], [sflag:$0x2] =	stream.linear.gather [hbm4b:s29+s3], $0x40, $0x38;
	[tilespmem:$0xD900] =	vst v63  }
0x20: {  	s17 =	simm.s32 $0x0;
	s31 =	rddreg [dreg:$0x6]  }
0x21: {  	[tilespmem:s22], [sflag:$0x2] =	stream.linear.gather [hbm4b:s31+s3], $0x40, $0x38;
	[tilespmem:$0xD900] =	vst v63  }
.LBB2_2:
0x22: {  	_ =	swait.ge [sflag:s23], $0x2400  }
0x23: {  	[sflag:s23] =	ssyncset.done $0x0  }
0x24: {  	s11 =	sshll.u32 s17, $0x7;
	p0 =	seq.s32 s17, $0x4E;
	[sflag:s23] =	ssyncadd.s32 $0xFFFFDC00  }
0x25: {  	s1 =	sadd.s32 @!p0 s11, s14;
	_ =	swait.ge [sflag:s23], $0x2400  }
0x26: {  	s1 =	sshrl.u32 @!p0 s1, $0x3;
	[sflag:s23] =	ssyncset.done $0x0  }
0x27: {  	s12 =	simm.s32 @!p0 $0x0;
	s10 =	sadd.s32 @!p0 s2, s1;
	[sflag:s23] =	ssyncadd.s32 $0xFFFFDC00  }
0x28: {  	[tilespmem:s12], [sflag:$0x1] =	stream.linear.gather @!p0 [hbm4b:s10+s12], $0x40, $0x38;
	[tilespmem:$0xD900] =	vst v63  }
0x29: {  	s1 =	sadd.s32 @!p0 s7, s1;
	s10 =	simm.s32 @!p0 $0x80  }
0x2a: {  	[tilespmem:s10], [sflag:$0x1] =	stream.linear.gather @!p0 [hbm4b:s1+s12], $0x40, $0x38;
	[tilespmem:$0xD900] =	vst v63  }
0x2b: {  	_ =	swait.ge [sflag:s24], $0x40  }
0x2c: {  	[sflag:s24] =	ssyncset.done $0x0  }
0x2d: {  	[sflag:s24] =	ssyncadd.s32 $0xFFFFFFC0  }
0x2e: {  	_ =	swait.ge [sflag:s24], $0x40  }
0x2f: {  	[sflag:s24] =	ssyncset.done $0x0  }
0x30: {  	s25 =	simm.s32 $0x2500;
	p1 =	seq.s32 s17, $0x0;
	[sflag:s24] =	ssyncadd.s32 $0xFFFFFFC0  }
0x31: {  	[tilespmem:s25], [sflag:$0x4] =	stream.indirect.gather [hbm4b:s4+s19], $0x90, s19, s19, $0xb8;
	[tilespmem:$0xD900] =	vst v63  }
0x32: {  	s26 =	simm.s32 $0x6D00;
	s1 =	simm.s32 @!p1 $0x5  }
0x33: {  	[tilespmem:s26], [sflag:$0x4] =	stream.indirect.gather [hbm4b:s5+s19], $0x90, s22, s19, $0xb8;
	[tilespmem:$0xD900] =	vst v63  }
0x34: {  	_ =	swait.ge @!p1 [sflag:s1], $0x2000  }
0x35: {  	[sflag:s1] =	ssyncset.done @!p1 $0x0  }
0x36: {  	[sflag:s1] =	ssyncadd.s32 @!p1 $0xFFFFE000  }
0x37: {  	_ =	swait.ge @!p1 [sflag:s1], $0x400  }
0x38: {  	[sflag:s1] =	ssyncset.done @!p1 $0x0  }
0x39: {  	s25 =	simm.s32 $0x190;
	[sflag:s1] =	ssyncadd.s32 @!p1 $0xFFFFFC00  }
0x3a: {  	s10 =	simm.s32 $0x4990;
	v0 =	vld [tilespmem:s25+$0x0]  }
0x3b: {  	v1 =	vld [tilespmem:s10+$0x0];
	_ =	sdelay $0x2  }
0x3c: {  	v2 =	vld [tilespmem:s10+$0xFFFFFF70]  }
0x3d: {  	v3 =	vld [tilespmem:s25+$0xFFFFFF70]  }
0x3e: {  	v0 =	vadd.f32 v1, v0  }
0x3f: {  	s26 =	simm.s32 $0x9180  }
0x40: {  	[tilespmem:s26+$0x0] =	vst v0  }
0x41: {  	v0 =	vld [tilespmem:s25+$0x10]  }
0x42: {  	v1 =	vadd.f32 v2, v3;
	v2 =	vld [tilespmem:s10+$0x10];
	_ =	sdelay $0x1  }
0x43: {  	[tilespmem:s26+$0xFFFFFF80] =	vst v1  }
0x44: {  	v1 =	vld [tilespmem:s25+$0xFFFFFF80]  }
0x45: {  	v3 =	vld [tilespmem:s10+$0xFFFFFF80]  }
0x46: {  	v0 =	vadd.f32 v2, v0;
	_ =	sdelay $0x1  }
0x47: {  	[tilespmem:s26+$0x10] =	vst v0  }
0x48: {  	v0 =	vld [tilespmem:s25+$0x20]  }
0x49: {  	v1 =	vadd.f32 v3, v1;
	v2 =	vld [tilespmem:s10+$0x20];
	_ =	sdelay $0x1  }
0x4a: {  	[tilespmem:s26+$0xFFFFFF90] =	vst v1  }
0x4b: {  	v1 =	vld [tilespmem:s25+$0xFFFFFF90]  }
0x4c: {  	v3 =	vld [tilespmem:s10+$0xFFFFFF90]  }
0x4d: {  	v0 =	vadd.f32 v2, v0;
	_ =	sdelay $0x1  }
0x4e: {  	[tilespmem:s26+$0x20] =	vst v0  }
0x4f: {  	v0 =	vld [tilespmem:s25+$0x30]  }
0x50: {  	v1 =	vadd.f32 v3, v1;
	v2 =	vld [tilespmem:s10+$0x30];
	_ =	sdelay $0x1  }
0x51: {  	[tilespmem:s26+$0xFFFFFFA0] =	vst v1  }
0x52: {  	v1 =	vld [tilespmem:s25+$0xFFFFFFA0]  }
0x53: {  	v3 =	vld [tilespmem:s10+$0xFFFFFFA0]  }
0x54: {  	s13 =	simm.s32 $0x4AB0;
	v0 =	vadd.f32 v2, v0  }
0x55: {  	s12 =	simm.s32 $0x2B0;
	v4 =	vld [tilespmem:s13+$0x0]  }
0x56: {  	v2 =	vld [tilespmem:s12+$0x0];
	[tilespmem:s26+$0x30] =	vst v0  }
0x57: {  	v0 =	vld [tilespmem:s25+$0x40]  }
0x58: {  	v1 =	vadd.f32 v3, v1;
	v3 =	vld [tilespmem:s10+$0x40]  }
0x59: {  	v5 =	vld [tilespmem:s13+$0xFFFFFF70]  }
0x5a: {  	[tilespmem:s26+$0xFFFFFFB0] =	vst v1;
	v1 =	vld [tilespmem:s12+$0xFFFFFF70]  }
0x5b: {  	v6 =	vld [tilespmem:s10+$0xFFFFFFB0];
	v2 =	vadd.f32 v4, v2  }
0x5c: {  	s16 =	simm.s32 $0x9280;
	v4 =	vld [tilespmem:s25+$0xFFFFFFB0]  }
0x5d: {  	[tilespmem:s16+$0x0] =	vst v2;
	v0 =	vadd.f32 v3, v0  }
0x5e: {  	v2 =	vld [tilespmem:s12+$0x10]  }
0x5f: {  	[tilespmem:s26+$0x40] =	vst v0;
	v0 =	vadd.f32 v5, v1;
	v1 =	vld [tilespmem:s13+$0x10]  }
0x60: {  	v3 =	vld [tilespmem:s25+$0x50]  }
0x61: {  	[tilespmem:s16+$0xFFFFFF80] =	vst v0;
	v0 =	vadd.f32 v6, v4;
	v4 =	vld [tilespmem:s10+$0x50]  }
0x62: {  	v5 =	vld [tilespmem:s12+$0xFFFFFF80]  }
0x63: {  	v6 =	vld [tilespmem:s13+$0xFFFFFF80];
	[tilespmem:s26+$0xFFFFFFC0] =	vst v0  }
0x64: {  	v0 =	vadd.f32 v1, v2;
	v1 =	vld [tilespmem:s25+$0xFFFFFFC0]  }
0x65: {  	v2 =	vld [tilespmem:s10+$0xFFFFFFC0]  }
0x66: {  	[tilespmem:s16+$0x10] =	vst v0;
	v0 =	vadd.f32 v4, v3  }
0x67: {  	v3 =	vld [tilespmem:s12+$0x20]  }
0x68: {  	v4 =	vadd.f32 v6, v5;
	v5 =	vld [tilespmem:s13+$0x20];
	[tilespmem:s26+$0x50] =	vst v0  }
0x69: {  	v0 =	vld [tilespmem:s25+$0x60]  }
0x6a: {  	[tilespmem:s16+$0xFFFFFF90] =	vst v4;
	v1 =	vadd.f32 v2, v1;
	v2 =	vld [tilespmem:s10+$0x60]  }
0x6b: {  	v4 =	vld [tilespmem:s12+$0xFFFFFF90]  }
0x6c: {  	v6 =	vld [tilespmem:s13+$0xFFFFFF90];
	[tilespmem:s26+$0xFFFFFFD0] =	vst v1  }
0x6d: {  	v1 =	vadd.f32 v5, v3;
	v3 =	vld [tilespmem:s25+$0xFFFFFFD0]  }
0x6e: {  	s1 =	simm.s32 $0x4BD0;
	v5 =	vld [tilespmem:s10+$0xFFFFFFD0]  }
0x6f: {  	v7 =	vld [tilespmem:s1+$0x0];
	[tilespmem:s16+$0x20] =	vst v1;
	v0 =	vadd.f32 v2, v0  }
0x70: {  	v1 =	vld [tilespmem:s12+$0x30]  }
0x71: {  	v2 =	vadd.f32 v6, v4;
	v4 =	vld [tilespmem:s13+$0x30];
	[tilespmem:s26+$0x60] =	vst v0  }
0x72: {  	v0 =	vld [tilespmem:s25+$0x70]  }
0x73: {  	[tilespmem:s16+$0xFFFFFFA0] =	vst v2;
	v2 =	vadd.f32 v5, v3;
	v3 =	vld [tilespmem:s10+$0x70]  }
0x74: {  	v8 =	vld [tilespmem:s1+$0xFFFFFF70]  }
0x75: {  	v5 =	vld [tilespmem:s12+$0xFFFFFFA0]  }
0x76: {  	v6 =	vld [tilespmem:s13+$0xFFFFFFA0];
	[tilespmem:s26+$0xFFFFFFE0] =	vst v2;
	v1 =	vadd.f32 v4, v1  }
0x77: {  	s18 =	simm.s32 $0x3D0;
	v2 =	vld [tilespmem:s25+$0xFFFFFFE0]  }
0x78: {  	v4 =	vld [tilespmem:s18+$0x0];
	[tilespmem:s16+$0x30] =	vst v1;
	v0 =	vadd.f32 v3, v0  }
0x79: {  	v1 =	vld [tilespmem:s12+$0x40]  }
0x7a: {  	v3 =	vld [tilespmem:s13+$0x40];
	[tilespmem:s26+$0x70] =	vst v0  }
0x7b: {  	v5 =	vadd.f32 v6, v5;
	v0 =	vld [tilespmem:s25+$0x80]  }
0x7c: {  	v6 =	vld [tilespmem:s10+$0x80]  }
0x7d: {  	[tilespmem:s16+$0xFFFFFFB0] =	vst v5;
	v5 =	vld [tilespmem:s18+$0xFFFFFF70]  }
0x7e: {  	v4 =	vadd.f32 v7, v4;
	v7 =	vld [tilespmem:s12+$0xFFFFFFB0]  }
0x7f: {  	s21 =	simm.s32 $0x9380;
	v9 =	vld [tilespmem:s13+$0xFFFFFFB0]  }
0x80: {  	[tilespmem:s21+$0x0] =	vst v4;
	v1 =	vadd.f32 v3, v1;
	v3 =	vld [tilespmem:s10+$0xFFFFFFE0]  }
0x81: {  	v4 =	vld [tilespmem:s18+$0x10]  }
0x82: {  	[tilespmem:s16+$0x40] =	vst v1;
	v1 =	vadd.f32 v8, v5;
	v5 =	vld [tilespmem:s1+$0x10]  }
0x83: {  	v58 =	vld [tilespmem:s12+$0x50]  }
0x84: {  	[tilespmem:s21+$0xFFFFFF80] =	vst v1;
	v1 =	vadd.f32 v9, v7;
	v7 =	vld [tilespmem:s13+$0x50]  }
0x85: {  	v59 =	vld [tilespmem:s18+$0xFFFFFF80]  }
0x86: {  	v2 =	vadd.f32 v3, v2;
	v3 =	vld [tilespmem:s1+$0xFFFFFF80];
	[tilespmem:s16+$0xFFFFFFC0] =	vst v1  }
0x87: {  	v1 =	vadd.f32 v5, v4;
	v4 =	vld [tilespmem:s12+$0xFFFFFFC0]  }
0x88: {  	[tilespmem:s26+$0xFFFFFFF0] =	vst v2;
	v2 =	vld [tilespmem:s13+$0xFFFFFFC0]  }
0x89: {  	v5 =	vld [tilespmem:s25+$0xFFFFFFF0];
	[tilespmem:s21+$0x10] =	vst v1;
	v1 =	vadd.f32 v7, v58  }
0x8a: {  	v7 =	vld [tilespmem:s18+$0x20]  }
0x8b: {  	v3 =	vadd.f32 v3, v59;
	v60 =	vld [tilespmem:s1+$0x20];
	[tilespmem:s16+$0x50] =	vst v1  }
0x8c: {  	v1 =	vld [tilespmem:s12+$0x60]  }
0x8d: {  	[tilespmem:s21+$0xFFFFFF90] =	vst v3;
	v2 =	vadd.f32 v2, v4;
	v3 =	vld [tilespmem:s13+$0x60]  }
0x8e: {  	v4 =	vld [tilespmem:s18+$0xFFFFFF90]  }
0x8f: {  	v61 =	vld [tilespmem:s1+$0xFFFFFF90];
	[tilespmem:s16+$0xFFFFFFD0] =	vst v2  }
0x90: {  	v2 =	vadd.f32 v60, v7;
	v7 =	vld [tilespmem:s12+$0xFFFFFFD0]  }
0x91: {  	v62 =	vld [tilespmem:s13+$0xFFFFFFD0]  }
0x92: {  	v10 =	vld [tilespmem:s10+$0xFFFFFFF0];
	[tilespmem:s21+$0x20] =	vst v2;
	v1 =	vadd.f32 v3, v1  }
0x93: {  	v11 =	vld [tilespmem:s18+$0x30]  }
0x94: {  	v2 =	vadd.f32 v61, v4;
	v63 =	vld [tilespmem:s1+$0x30];
	[tilespmem:s16+$0x60] =	vst v1  }
0x95: {  	v0 =	vadd.f32 v6, v0;
	v1 =	vld [tilespmem:s12+$0x70]  }
0x96: {  	s25 =	simm.s32 $0xD110;
	[tilespmem:s21+$0xFFFFFFA0] =	vst v2;
	v6 =	vadd.f32 v62, v7;
	v2 =	vld [tilespmem:s13+$0x70]  }
0x97: {  	[tilespmem:s25+$0x0] =	vst v0;
	v7 =	vadd.f32 v10, v5;
	v3 =	vld [tilespmem:s18+$0xFFFFFFA0]  }
0x98: {  	s29 =	simm.s32 $0x4;
	s31 =	simm.s32 $0x4F0;
	v4 =	vld [tilespmem:s1+$0xFFFFFFA0];
	[tilespmem:s16+$0xFFFFFFE0] =	vst v6  }
0x99: {  	s28 =	simm.s32 $0x9380;
	s26 =	simm.s32 $0x4BD0;
	s10 =	sor.u32 $0x40, s11;
	[tilespmem:s25+$0xFFFFFFF0] =	vst v7;
	v5 =	vadd.f32 v63, v11;
	v0 =	vld [tilespmem:s12+$0xFFFFFFE0]  }
.LBB2_3:
0x9a: {  	v6 =	vld [tilespmem:s31+$0x0];
	s1 =	sadd.s32 $0x120, s1  }
0x9b: {  	v7 =	vld [tilespmem:s1+$0x0];
	[tilespmem:s21+$0x30] =	vst v5;
	v1 =	vadd.f32 v2, v1  }
0x9c: {  	v2 =	vld [tilespmem:s18+$0x40]  }
0x9d: {  	v3 =	vadd.f32 v4, v3;
	v4 =	vld [tilespmem:s26+$0x40];
	[tilespmem:s16+$0x70] =	vst v1  }
0x9e: {  	v1 =	vld [tilespmem:s12+$0x80]  }
0x9f: {  	[tilespmem:s21+$0xFFFFFFB0] =	vst v3;
	v3 =	vld [tilespmem:s13+$0x80]  }
0xa0: {  	v5 =	vld [tilespmem:s1+$0xFFFFFF70]  }
0xa1: {  	v8 =	vld [tilespmem:s31+$0xFFFFFF70]  }
0xa2: {  	v6 =	vadd.f32 v7, v6;
	v7 =	vld [tilespmem:s18+$0xFFFFFFB0]  }
0xa3: {  	s21 =	sadd.s32 $0x100, s21;
	v2 =	vadd.f32 v4, v2;
	v9 =	vld [tilespmem:s26+$0xFFFFFFB0]  }
0xa4: {  	[tilespmem:s21+$0x0] =	vst v6;
	v4 =	vld [tilespmem:s13+$0xFFFFFFE0];
	v1 =	vadd.f32 v3, v1  }
0xa5: {  	s25 =	sadd.s32 $0x20, s25;
	v3 =	vld [tilespmem:s31+$0x10];
	[tilespmem:s28+$0x40] =	vst v2  }
0xa6: {  	v2 =	vadd.f32 v5, v8;
	v5 =	vld [tilespmem:s1+$0x10];
	[tilespmem:s25+$0x0] =	vst v1  }
0xa7: {  	s29 =	sadd.s32 $0x2, s29;
	v1 =	vld [tilespmem:s18+$0x50]  }
0xa8: {  	p1 =	slt.u32 s29, $0x3E;
	[tilespmem:s21+$0xFFFFFF80] =	vst v2;
	v2 =	vadd.f32 v9, v7;
	v6 =	vld [tilespmem:s26+$0x50]  }
0xa9: {  	v7 =	vld [tilespmem:s31+$0xFFFFFF80];
	v0 =	vadd.f32 v4, v0  }
0xaa: {  	v4 =	vld [tilespmem:s1+$0xFFFFFF80];
	[tilespmem:s28+$0xFFFFFFC0] =	vst v2  }
0xab: {  	v2 =	vadd.f32 v5, v3;
	v3 =	vld [tilespmem:s18+$0xFFFFFFC0];
	[tilespmem:s16+$0xFFFFFFF0] =	vst v0;
	s16 =	smov.u32 s28;
	s28 =	smov.u32 s21  }
0xac: {  	v0 =	vld [tilespmem:s26+$0xFFFFFFC0]  }
0xad: {  	[tilespmem:s21+$0x10] =	vst v2;
	v1 =	vadd.f32 v6, v1;
	v5 =	vld [tilespmem:s12+$0xFFFFFFF0];
	s12 =	smov.u32 s18;
	s18 =	smov.u32 s31  }
0xae: {  	v2 =	vld [tilespmem:s31+$0x20]  }
0xaf: {  	v4 =	vadd.f32 v4, v7;
	v6 =	vld [tilespmem:s1+$0x20];
	[tilespmem:s16+$0x50] =	vst v1  }
0xb0: {  	v1 =	vld [tilespmem:s12+$0x60]  }
0xb1: {  	[tilespmem:s21+$0xFFFFFF90] =	vst v4;
	v0 =	vadd.f32 v0, v3;
	v3 =	vld [tilespmem:s26+$0x60]  }
0xb2: {  	v4 =	vld [tilespmem:s31+$0xFFFFFF90]  }
0xb3: {  	v7 =	vld [tilespmem:s1+$0xFFFFFF90];
	[tilespmem:s16+$0xFFFFFFD0] =	vst v0  }
0xb4: {  	v0 =	vadd.f32 v6, v2;
	v2 =	vld [tilespmem:s12+$0xFFFFFFD0]  }
0xb5: {  	v6 =	vld [tilespmem:s26+$0xFFFFFFD0]  }
0xb6: {  	[tilespmem:s21+$0x20] =	vst v0;
	v0 =	vadd.f32 v3, v1;
	v8 =	vld [tilespmem:s13+$0xFFFFFFF0];
	s13 =	smov.u32 s26;
	s26 =	smov.u32 s1  }
0xb7: {  	v9 =	vld [tilespmem:s31+$0x30]  }
0xb8: {  	v3 =	vadd.f32 v7, v4;
	v7 =	vld [tilespmem:s1+$0x30];
	[tilespmem:s16+$0x60] =	vst v0  }
.Ltmp0:
0xb9: {  	v1 =	vld [tilespmem:s12+$0x70];
	(pc) =	sbr.rel @p1 .LBB2_3-.Ltmp0, $4  }
0xba: {  	[tilespmem:s21+$0xFFFFFFA0] =	vst v3;
	v0 =	vadd.f32 v6, v2;
	v2 =	vld [tilespmem:s13+$0x70]  }
0xbb: {  	v3 =	vld [tilespmem:s31+$0xFFFFFFA0];
	v6 =	vadd.f32 v8, v5  }
0xbc: {  	v4 =	vld [tilespmem:s1+$0xFFFFFFA0];
	[tilespmem:s16+$0xFFFFFFE0] =	vst v0  }
0xbd: {  	s31 =	sadd.s32 $0x120, s31;
	v5 =	vadd.f32 v7, v9;
	v0 =	vld [tilespmem:s12+$0xFFFFFFE0];
	[tilespmem:s25+$0xFFFFFFF0] =	vst v6  }
0xbe: {  	_ =	sdelay $0x2  }
0xbf: {  	[tilespmem:s21+$0x30] =	vst v5;
	v3 =	vadd.f32 v4, v3  }
0xc0: {  	v5 =	vld [tilespmem:s26+$0x40]  }
0xc1: {  	v4 =	vld [tilespmem:s18+$0x40];
	[tilespmem:s21+$0xFFFFFFB0] =	vst v3  }
0xc2: {  	v3 =	vld [tilespmem:s18+$0xFFFFFFB0]  }
0xc3: {  	v6 =	vld [tilespmem:s26+$0xFFFFFFB0];
	_ =	sdelay $0x2  }
0xc4: {  	v4 =	vadd.f32 v5, v4;
	_ =	sdelay $0x1  }
0xc5: {  	[tilespmem:s28+$0x40] =	vst v4;
	v3 =	vadd.f32 v6, v3  }
0xc6: {  	v4 =	vld [tilespmem:s18+$0x50]  }
0xc7: {  	v5 =	vld [tilespmem:s26+$0x50];
	[tilespmem:s28+$0xFFFFFFC0] =	vst v3  }
0xc8: {  	v3 =	vld [tilespmem:s18+$0xFFFFFFC0]  }
0xc9: {  	v6 =	vld [tilespmem:s26+$0xFFFFFFC0];
	_ =	sdelay $0x2  }
0xca: {  	v4 =	vadd.f32 v5, v4;
	_ =	sdelay $0x1  }
0xcb: {  	[tilespmem:s28+$0x50] =	vst v4;
	v3 =	vadd.f32 v6, v3  }
0xcc: {  	v4 =	vld [tilespmem:s18+$0x60]  }
0xcd: {  	v5 =	vld [tilespmem:s26+$0x60];
	[tilespmem:s28+$0xFFFFFFD0] =	vst v3  }
0xce: {  	v3 =	vld [tilespmem:s18+$0xFFFFFFD0]  }
0xcf: {  	v6 =	vld [tilespmem:s26+$0xFFFFFFD0];
	_ =	sdelay $0x2  }
0xd0: {  	v4 =	vadd.f32 v5, v4;
	_ =	sdelay $0x1  }
0xd1: {  	v5 =	vld [tilespmem:s13+$0xFFFFFFE0];
	[tilespmem:s28+$0x60] =	vst v4;
	v3 =	vadd.f32 v6, v3  }
0xd2: {  	v4 =	vld [tilespmem:s18+$0x70]  }
0xd3: {  	v6 =	vld [tilespmem:s26+$0x70];
	[tilespmem:s28+$0xFFFFFFE0] =	vst v3  }
0xd4: {  	v1 =	vadd.f32 v2, v1;
	v2 =	vld [tilespmem:s18+$0xFFFFFFE0]  }
0xd5: {  	v3 =	vld [tilespmem:s26+$0xFFFFFFE0]  }
0xd6: {  	[tilespmem:s16+$0x70] =	vst v1;
	v0 =	vadd.f32 v5, v0  }
0xd7: {  	v1 =	vld [tilespmem:s12+$0x80]  }
0xd8: {  	v5 =	vld [tilespmem:s13+$0x80];
	[tilespmem:s16+$0xFFFFFFF0] =	vst v0;
	v0 =	vadd.f32 v6, v4  }
0xd9: {  	v4 =	vld [tilespmem:s12+$0xFFFFFFF0]  }
0xda: {  	v6 =	vld [tilespmem:s13+$0xFFFFFFF0];
	[tilespmem:s28+$0x70] =	vst v0;
	v0 =	vadd.f32 v3, v2  }
0xdb: {  	v2 =	vld [tilespmem:s18+$0x80]  }
0xdc: {  	v3 =	vld [tilespmem:s26+$0x80];
	[tilespmem:s28+$0xFFFFFFF0] =	vst v0  }
0xdd: {  	v0 =	vld [tilespmem:s18+$0xFFFFFFF0]  }
0xde: {  	v7 =	vld [tilespmem:s26+$0xFFFFFFF0];
	_ =	sdelay $0x1  }
0xdf: {  	v1 =	vadd.f32 v5, v1  }
0xe0: {  	s1 =	sadd.s32 $0x20, s25;
	v4 =	vadd.f32 v6, v4  }
0xe1: {  	[tilespmem:s1+$0x0] =	vst v1;
	v1 =	vadd.f32 v3, v2  }
0xe2: {  	s31 =	sadd.s32 s6, s11;
	[tilespmem:s1+$0xFFFFFFF0] =	vst v4;
	s1 =	sadd.s32 $0x20, s1;
	v0 =	vadd.f32 v7, v0  }
0xe3: {  	s16 =	sshll.u32 s31, $0x4;
	[tilespmem:s1+$0x0] =	vst v1  }
0xe4: {  	s25 =	sshll.u32 s31, $0x1;
	s21 =	simm.s32 $0x9100;
	s18 =	sadd.s32 s8, s16;
	[tilespmem:s1+$0xFFFFFFF0] =	vst v0  }
0xe5: {  	[hbm4b:s18+s3] =	stream.linear.scatter [tilespmem:s21], [sflag:$0x5], $0x2000, $0x38;
	[tilespmem:$0xD900] =	vst v63  }
0xe6: {  	s26 =	simm.s32 $0xD100;
	s1 =	sadd.s32 s9, s25  }
0xe7: {  	[hbm4b:s1+s3] =	stream.linear.scatter [tilespmem:s26], [sflag:$0x5], $0x400, $0x38;
	[tilespmem:$0xD900] =	vst v63  }
0xe8: {  	_ =	swait.ge [sflag:s30], $0x2400  }
0xe9: {  	[sflag:s30] =	ssyncset.done $0x0  }
0xea: {  	[sflag:s30] =	ssyncadd.s32 $0xFFFFDC00  }
0xeb: {  	s1 =	sadd.s32 @!p0 s11, s15;
	_ =	swait.ge [sflag:s30], $0x2400  }
0xec: {  	s12 =	simm.s32 @!p0 $0x0;
	s1 =	sshrl.u32 @!p0 s1, $0x3;
	[sflag:s30] =	ssyncset.done $0x0  }
0xed: {  	s13 =	simm.s32 @!p0 $0x40;
	s11 =	sadd.s32 @!p0 s2, s1;
	[sflag:s30] =	ssyncadd.s32 $0xFFFFDC00  }
0xee: {  	[tilespmem:s13], [sflag:$0x2] =	stream.linear.gather @!p0 [hbm4b:s11+s12], $0x40, $0x38;
	[tilespmem:$0xD900] =	vst v63  }
0xef: {  	s1 =	sadd.s32 @!p0 s7, s1;
	s11 =	simm.s32 @!p0 $0xC0  }
0xf0: {  	[tilespmem:s11], [sflag:$0x2] =	stream.linear.gather @!p0 [hbm4b:s1+s12], $0x40, $0x38;
	[tilespmem:$0xD900] =	vst v63  }
0xf1: {  	s1 =	simm.s32 @!p0 $0x1  }
0xf2: {  	_ =	swait.ge @!p0 [sflag:s1], $0x40  }
0xf3: {  	[sflag:s1] =	ssyncset.done @!p0 $0x0  }
0xf4: {  	[sflag:s1] =	ssyncadd.s32 @!p0 $0xFFFFFFC0  }
0xf5: {  	_ =	swait.ge @!p0 [sflag:s1], $0x40  }
0xf6: {  	[sflag:s1] =	ssyncset.done @!p0 $0x0  }
0xf7: {  	[sflag:s1] =	ssyncadd.s32 @!p0 $0xFFFFFFC0;
	s1 =	simm.s32 @!p0 $0x100  }
0xf8: {  	[tilespmem:s1], [sflag:$0x3] =	stream.indirect.gather @!p0 [hbm4b:s4+s13], $0x90, s12, s13, $0xb8;
	[tilespmem:$0xD900] =	vst v63  }
0xf9: {  	p1 =	seq.s32 @!p0 s17, $0x0;
	s11 =	simm.s32 @!p0 $0x4900;
	s1 =	simm.s32 @!p0 $0x80  }
0xfa: {  	[tilespmem:s11], [sflag:$0x3] =	stream.indirect.gather @!p0 [hbm4b:s5+s13], $0x90, s1, s13, $0xb8;
	[tilespmem:$0xD900] =	vst v63  }
0xfb: {  	p0 =	por p0, !p1  }
0xfc: {  	_ =	swait.ge @p0 [sflag:s20], $0x2000  }
0xfd: {  	[sflag:s20] =	ssyncset.done @p0 $0x0  }
0xfe: {  	[sflag:s20] =	ssyncadd.s32 @p0 $0xFFFFE000  }
0xff: {  	_ =	swait.ge @p0 [sflag:s20], $0x400  }
0x100: {  	[sflag:s20] =	ssyncset.done @p0 $0x0  }
0x101: {  	s25 =	simm.s32 $0x2590;
	[sflag:s20] =	ssyncadd.s32 @p0 $0xFFFFFC00  }
0x102: {  	s21 =	simm.s32 $0x6D90;
	v0 =	vld [tilespmem:s25+$0x0]  }
0x103: {  	v1 =	vld [tilespmem:s21+$0x0];
	_ =	sdelay $0x2  }
0x104: {  	v2 =	vld [tilespmem:s21+$0xFFFFFF70]  }
0x105: {  	v3 =	vld [tilespmem:s25+$0xFFFFFF70]  }
0x106: {  	v0 =	vadd.f32 v1, v0  }
0x107: {  	s31 =	simm.s32 $0xB180  }
0x108: {  	[tilespmem:s31+$0x0] =	vst v0  }
0x109: {  	v0 =	vld [tilespmem:s25+$0x10]  }
0x10a: {  	v1 =	vadd.f32 v2, v3;
	v2 =	vld [tilespmem:s21+$0x10];
	_ =	sdelay $0x1  }
0x10b: {  	[tilespmem:s31+$0xFFFFFF80] =	vst v1  }
0x10c: {  	v1 =	vld [tilespmem:s25+$0xFFFFFF80]  }
0x10d: {  	v3 =	vld [tilespmem:s21+$0xFFFFFF80]  }
0x10e: {  	v0 =	vadd.f32 v2, v0;
	_ =	sdelay $0x1  }
0x10f: {  	[tilespmem:s31+$0x10] =	vst v0  }
0x110: {  	v0 =	vld [tilespmem:s25+$0x20]  }
0x111: {  	v1 =	vadd.f32 v3, v1;
	v2 =	vld [tilespmem:s21+$0x20];
	_ =	sdelay $0x1  }
0x112: {  	[tilespmem:s31+$0xFFFFFF90] =	vst v1  }
0x113: {  	v1 =	vld [tilespmem:s25+$0xFFFFFF90]  }
0x114: {  	v3 =	vld [tilespmem:s21+$0xFFFFFF90]  }
0x115: {  	v0 =	vadd.f32 v2, v0;
	_ =	sdelay $0x1  }
0x116: {  	[tilespmem:s31+$0x20] =	vst v0  }
0x117: {  	v0 =	vld [tilespmem:s25+$0x30]  }
0x118: {  	v1 =	vadd.f32 v3, v1;
	v2 =	vld [tilespmem:s21+$0x30];
	_ =	sdelay $0x1  }
0x119: {  	[tilespmem:s31+$0xFFFFFFA0] =	vst v1  }
0x11a: {  	v1 =	vld [tilespmem:s25+$0xFFFFFFA0]  }
0x11b: {  	v3 =	vld [tilespmem:s21+$0xFFFFFFA0]  }
0x11c: {  	s12 =	simm.s32 $0x6EB0;
	v0 =	vadd.f32 v2, v0  }
0x11d: {  	s11 =	simm.s32 $0x26B0;
	v4 =	vld [tilespmem:s12+$0x0]  }
0x11e: {  	v2 =	vld [tilespmem:s11+$0x0];
	[tilespmem:s31+$0x30] =	vst v0  }
0x11f: {  	v0 =	vld [tilespmem:s25+$0x40]  }
0x120: {  	v1 =	vadd.f32 v3, v1;
	v3 =	vld [tilespmem:s21+$0x40]  }
0x121: {  	v5 =	vld [tilespmem:s12+$0xFFFFFF70]  }
0x122: {  	[tilespmem:s31+$0xFFFFFFB0] =	vst v1;
	v1 =	vld [tilespmem:s11+$0xFFFFFF70]  }
0x123: {  	v6 =	vld [tilespmem:s21+$0xFFFFFFB0];
	v2 =	vadd.f32 v4, v2  }
0x124: {  	s13 =	simm.s32 $0xB280;
	v4 =	vld [tilespmem:s25+$0xFFFFFFB0]  }
0x125: {  	[tilespmem:s13+$0x0] =	vst v2;
	v0 =	vadd.f32 v3, v0  }
0x126: {  	v2 =	vld [tilespmem:s11+$0x10]  }
0x127: {  	[tilespmem:s31+$0x40] =	vst v0;
	v0 =	vadd.f32 v5, v1;
	v1 =	vld [tilespmem:s12+$0x10]  }
0x128: {  	v3 =	vld [tilespmem:s25+$0x50]  }
0x129: {  	[tilespmem:s13+$0xFFFFFF80] =	vst v0;
	v0 =	vadd.f32 v6, v4;
	v4 =	vld [tilespmem:s21+$0x50]  }
0x12a: {  	v5 =	vld [tilespmem:s11+$0xFFFFFF80]  }
0x12b: {  	v6 =	vld [tilespmem:s12+$0xFFFFFF80];
	[tilespmem:s31+$0xFFFFFFC0] =	vst v0  }
0x12c: {  	v0 =	vadd.f32 v1, v2;
	v1 =	vld [tilespmem:s25+$0xFFFFFFC0]  }
0x12d: {  	v2 =	vld [tilespmem:s21+$0xFFFFFFC0]  }
0x12e: {  	[tilespmem:s13+$0x10] =	vst v0;
	v0 =	vadd.f32 v4, v3  }
0x12f: {  	v3 =	vld [tilespmem:s11+$0x20]  }
0x130: {  	v4 =	vadd.f32 v6, v5;
	v5 =	vld [tilespmem:s12+$0x20];
	[tilespmem:s31+$0x50] =	vst v0  }
0x131: {  	v0 =	vld [tilespmem:s25+$0x60]  }
0x132: {  	[tilespmem:s13+$0xFFFFFF90] =	vst v4;
	v1 =	vadd.f32 v2, v1;
	v2 =	vld [tilespmem:s21+$0x60]  }
0x133: {  	v4 =	vld [tilespmem:s11+$0xFFFFFF90]  }
0x134: {  	v6 =	vld [tilespmem:s12+$0xFFFFFF90];
	[tilespmem:s31+$0xFFFFFFD0] =	vst v1  }
0x135: {  	v1 =	vadd.f32 v5, v3;
	v3 =	vld [tilespmem:s25+$0xFFFFFFD0]  }
0x136: {  	s1 =	simm.s32 $0x6FD0;
	v5 =	vld [tilespmem:s21+$0xFFFFFFD0]  }
0x137: {  	v7 =	vld [tilespmem:s1+$0x0];
	[tilespmem:s13+$0x20] =	vst v1;
	v0 =	vadd.f32 v2, v0  }
0x138: {  	v1 =	vld [tilespmem:s11+$0x30]  }
0x139: {  	v2 =	vadd.f32 v6, v4;
	v4 =	vld [tilespmem:s12+$0x30];
	[tilespmem:s31+$0x60] =	vst v0  }
0x13a: {  	v0 =	vld [tilespmem:s25+$0x70]  }
0x13b: {  	[tilespmem:s13+$0xFFFFFFA0] =	vst v2;
	v2 =	vadd.f32 v5, v3;
	v3 =	vld [tilespmem:s21+$0x70]  }
0x13c: {  	v8 =	vld [tilespmem:s1+$0xFFFFFF70]  }
0x13d: {  	v5 =	vld [tilespmem:s11+$0xFFFFFFA0]  }
0x13e: {  	v6 =	vld [tilespmem:s12+$0xFFFFFFA0];
	[tilespmem:s31+$0xFFFFFFE0] =	vst v2;
	v1 =	vadd.f32 v4, v1  }
0x13f: {  	s16 =	simm.s32 $0x27D0;
	v2 =	vld [tilespmem:s25+$0xFFFFFFE0]  }
0x140: {  	v4 =	vld [tilespmem:s16+$0x0];
	[tilespmem:s13+$0x30] =	vst v1;
	v0 =	vadd.f32 v3, v0  }
0x141: {  	v1 =	vld [tilespmem:s11+$0x40]  }
0x142: {  	v3 =	vld [tilespmem:s12+$0x40];
	[tilespmem:s31+$0x70] =	vst v0  }
0x143: {  	v5 =	vadd.f32 v6, v5;
	v0 =	vld [tilespmem:s25+$0x80]  }
0x144: {  	v6 =	vld [tilespmem:s21+$0x80]  }
0x145: {  	[tilespmem:s13+$0xFFFFFFB0] =	vst v5;
	v5 =	vld [tilespmem:s16+$0xFFFFFF70]  }
0x146: {  	v4 =	vadd.f32 v7, v4;
	v7 =	vld [tilespmem:s11+$0xFFFFFFB0]  }
0x147: {  	s18 =	simm.s32 $0xB380;
	v9 =	vld [tilespmem:s12+$0xFFFFFFB0]  }
0x148: {  	[tilespmem:s18+$0x0] =	vst v4;
	v1 =	vadd.f32 v3, v1;
	v3 =	vld [tilespmem:s21+$0xFFFFFFE0]  }
0x149: {  	v4 =	vld [tilespmem:s16+$0x10]  }
0x14a: {  	[tilespmem:s13+$0x40] =	vst v1;
	v1 =	vadd.f32 v8, v5;
	v5 =	vld [tilespmem:s1+$0x10]  }
0x14b: {  	v58 =	vld [tilespmem:s11+$0x50]  }
0x14c: {  	[tilespmem:s18+$0xFFFFFF80] =	vst v1;
	v1 =	vadd.f32 v9, v7;
	v7 =	vld [tilespmem:s12+$0x50]  }
0x14d: {  	v59 =	vld [tilespmem:s16+$0xFFFFFF80]  }
0x14e: {  	v2 =	vadd.f32 v3, v2;
	v3 =	vld [tilespmem:s1+$0xFFFFFF80];
	[tilespmem:s13+$0xFFFFFFC0] =	vst v1  }
0x14f: {  	v1 =	vadd.f32 v5, v4;
	v4 =	vld [tilespmem:s11+$0xFFFFFFC0]  }
0x150: {  	[tilespmem:s31+$0xFFFFFFF0] =	vst v2;
	v2 =	vld [tilespmem:s12+$0xFFFFFFC0]  }
0x151: {  	v5 =	vld [tilespmem:s25+$0xFFFFFFF0];
	[tilespmem:s18+$0x10] =	vst v1;
	v1 =	vadd.f32 v7, v58  }
0x152: {  	v7 =	vld [tilespmem:s16+$0x20]  }
0x153: {  	v3 =	vadd.f32 v3, v59;
	v60 =	vld [tilespmem:s1+$0x20];
	[tilespmem:s13+$0x50] =	vst v1  }
0x154: {  	v1 =	vld [tilespmem:s11+$0x60]  }
0x155: {  	[tilespmem:s18+$0xFFFFFF90] =	vst v3;
	v2 =	vadd.f32 v2, v4;
	v3 =	vld [tilespmem:s12+$0x60]  }
0x156: {  	v4 =	vld [tilespmem:s16+$0xFFFFFF90]  }
0x157: {  	v61 =	vld [tilespmem:s1+$0xFFFFFF90];
	[tilespmem:s13+$0xFFFFFFD0] =	vst v2  }
0x158: {  	v2 =	vadd.f32 v60, v7;
	v7 =	vld [tilespmem:s11+$0xFFFFFFD0]  }
0x159: {  	v62 =	vld [tilespmem:s12+$0xFFFFFFD0]  }
0x15a: {  	v10 =	vld [tilespmem:s21+$0xFFFFFFF0];
	[tilespmem:s18+$0x20] =	vst v2;
	v1 =	vadd.f32 v3, v1  }
0x15b: {  	v11 =	vld [tilespmem:s16+$0x30]  }
0x15c: {  	v2 =	vadd.f32 v61, v4;
	v63 =	vld [tilespmem:s1+$0x30];
	[tilespmem:s13+$0x60] =	vst v1  }
0x15d: {  	v0 =	vadd.f32 v6, v0;
	v1 =	vld [tilespmem:s11+$0x70]  }
0x15e: {  	s21 =	simm.s32 $0xD510;
	[tilespmem:s18+$0xFFFFFFA0] =	vst v2;
	v6 =	vadd.f32 v62, v7;
	v2 =	vld [tilespmem:s12+$0x70]  }
0x15f: {  	[tilespmem:s21+$0x0] =	vst v0;
	v7 =	vadd.f32 v10, v5;
	v3 =	vld [tilespmem:s16+$0xFFFFFFA0]  }
0x160: {  	s29 =	simm.s32 $0x28F0;
	v4 =	vld [tilespmem:s1+$0xFFFFFFA0];
	[tilespmem:s13+$0xFFFFFFE0] =	vst v6  }
0x161: {  	s28 =	simm.s32 $0x4;
	s26 =	simm.s32 $0xB380;
	s25 =	simm.s32 $0x6FD0;
	[tilespmem:s21+$0xFFFFFFF0] =	vst v7;
	v5 =	vadd.f32 v63, v11;
	v0 =	vld [tilespmem:s11+$0xFFFFFFE0]  }
.LBB2_5:
0x162: {  	v6 =	vld [tilespmem:s29+$0x0];
	s1 =	sadd.s32 $0x120, s1  }
0x163: {  	v7 =	vld [tilespmem:s1+$0x0];
	[tilespmem:s18+$0x30] =	vst v5;
	v1 =	vadd.f32 v2, v1  }
0x164: {  	v2 =	vld [tilespmem:s16+$0x40]  }
0x165: {  	v3 =	vadd.f32 v4, v3;
	v4 =	vld [tilespmem:s25+$0x40];
	[tilespmem:s13+$0x70] =	vst v1  }
0x166: {  	v1 =	vld [tilespmem:s11+$0x80]  }
0x167: {  	[tilespmem:s18+$0xFFFFFFB0] =	vst v3;
	v3 =	vld [tilespmem:s12+$0x80]  }
0x168: {  	v5 =	vld [tilespmem:s1+$0xFFFFFF70]  }
0x169: {  	v8 =	vld [tilespmem:s29+$0xFFFFFF70]  }
0x16a: {  	v6 =	vadd.f32 v7, v6;
	v7 =	vld [tilespmem:s16+$0xFFFFFFB0]  }
0x16b: {  	s18 =	sadd.s32 $0x100, s18;
	v2 =	vadd.f32 v4, v2;
	v9 =	vld [tilespmem:s25+$0xFFFFFFB0]  }
0x16c: {  	[tilespmem:s18+$0x0] =	vst v6;
	v4 =	vld [tilespmem:s12+$0xFFFFFFE0];
	v1 =	vadd.f32 v3, v1  }
0x16d: {  	s21 =	sadd.s32 $0x20, s21;
	v3 =	vld [tilespmem:s29+$0x10];
	[tilespmem:s26+$0x40] =	vst v2  }
0x16e: {  	v2 =	vadd.f32 v5, v8;
	v5 =	vld [tilespmem:s1+$0x10];
	[tilespmem:s21+$0x0] =	vst v1  }
0x16f: {  	s28 =	sadd.s32 $0x2, s28;
	v1 =	vld [tilespmem:s16+$0x50]  }
0x170: {  	p0 =	slt.u32 s28, $0x3E;
	[tilespmem:s18+$0xFFFFFF80] =	vst v2;
	v2 =	vadd.f32 v9, v7;
	v6 =	vld [tilespmem:s25+$0x50]  }
0x171: {  	v7 =	vld [tilespmem:s29+$0xFFFFFF80];
	v0 =	vadd.f32 v4, v0  }
0x172: {  	v4 =	vld [tilespmem:s1+$0xFFFFFF80];
	[tilespmem:s26+$0xFFFFFFC0] =	vst v2  }
0x173: {  	v2 =	vadd.f32 v5, v3;
	v3 =	vld [tilespmem:s16+$0xFFFFFFC0];
	[tilespmem:s13+$0xFFFFFFF0] =	vst v0;
	s13 =	smov.u32 s26;
	s26 =	smov.u32 s18  }
0x174: {  	v0 =	vld [tilespmem:s25+$0xFFFFFFC0]  }
0x175: {  	[tilespmem:s18+$0x10] =	vst v2;
	v1 =	vadd.f32 v6, v1;
	v5 =	vld [tilespmem:s11+$0xFFFFFFF0];
	s11 =	smov.u32 s16;
	s16 =	smov.u32 s29  }
0x176: {  	v2 =	vld [tilespmem:s29+$0x20]  }
0x177: {  	v4 =	vadd.f32 v4, v7;
	v6 =	vld [tilespmem:s1+$0x20];
	[tilespmem:s13+$0x50] =	vst v1  }
0x178: {  	v1 =	vld [tilespmem:s11+$0x60]  }
0x179: {  	[tilespmem:s18+$0xFFFFFF90] =	vst v4;
	v0 =	vadd.f32 v0, v3;
	v3 =	vld [tilespmem:s25+$0x60]  }
0x17a: {  	v4 =	vld [tilespmem:s29+$0xFFFFFF90]  }
0x17b: {  	v7 =	vld [tilespmem:s1+$0xFFFFFF90];
	[tilespmem:s13+$0xFFFFFFD0] =	vst v0  }
0x17c: {  	v0 =	vadd.f32 v6, v2;
	v2 =	vld [tilespmem:s11+$0xFFFFFFD0]  }
0x17d: {  	v6 =	vld [tilespmem:s25+$0xFFFFFFD0]  }
0x17e: {  	[tilespmem:s18+$0x20] =	vst v0;
	v0 =	vadd.f32 v3, v1;
	v8 =	vld [tilespmem:s12+$0xFFFFFFF0];
	s12 =	smov.u32 s25;
	s25 =	smov.u32 s1  }
0x17f: {  	v9 =	vld [tilespmem:s29+$0x30]  }
0x180: {  	v3 =	vadd.f32 v7, v4;
	v7 =	vld [tilespmem:s1+$0x30];
	[tilespmem:s13+$0x60] =	vst v0  }
.Ltmp1:
0x181: {  	v1 =	vld [tilespmem:s11+$0x70];
	(pc) =	sbr.rel @p0 .LBB2_5-.Ltmp1, $4  }
0x182: {  	[tilespmem:s18+$0xFFFFFFA0] =	vst v3;
	v0 =	vadd.f32 v6, v2;
	v2 =	vld [tilespmem:s12+$0x70]  }
0x183: {  	v3 =	vld [tilespmem:s29+$0xFFFFFFA0];
	v6 =	vadd.f32 v8, v5  }
0x184: {  	v4 =	vld [tilespmem:s1+$0xFFFFFFA0];
	[tilespmem:s13+$0xFFFFFFE0] =	vst v0  }
0x185: {  	s29 =	sadd.s32 $0x120, s29;
	v5 =	vadd.f32 v7, v9;
	v0 =	vld [tilespmem:s11+$0xFFFFFFE0];
	[tilespmem:s21+$0xFFFFFFF0] =	vst v6  }
0x186: {  	_ =	sdelay $0x2  }
0x187: {  	[tilespmem:s18+$0x30] =	vst v5;
	v3 =	vadd.f32 v4, v3  }
0x188: {  	v48 =	vld [tilespmem:s16+$0x40]  }
0x189: {  	v5 =	vld [tilespmem:s25+$0x40];
	[tilespmem:s18+$0xFFFFFFB0] =	vst v3  }
0x18a: {  	v3 =	vld [tilespmem:s16+$0xFFFFFFB0]  }
0x18b: {  	v6 =	vld [tilespmem:s25+$0xFFFFFFB0];
	_ =	sdelay $0x2  }
0x18c: {  	v4 =	vadd.f32 v5, v48;
	_ =	sdelay $0x1  }
0x18d: {  	[tilespmem:s26+$0x40] =	vst v4;
	v3 =	vadd.f32 v6, v3  }
0x18e: {  	v4 =	vld [tilespmem:s16+$0x50]  }
0x18f: {  	v49 =	vld [tilespmem:s25+$0x50];
	[tilespmem:s26+$0xFFFFFFC0] =	vst v3  }
0x190: {  	v3 =	vld [tilespmem:s16+$0xFFFFFFC0]  }
0x191: {  	v50 =	vld [tilespmem:s25+$0xFFFFFFC0];
	_ =	sdelay $0x2  }
0x192: {  	v4 =	vadd.f32 v49, v4;
	_ =	sdelay $0x1  }
0x193: {  	[tilespmem:s26+$0x50] =	vst v4;
	v3 =	vadd.f32 v50, v3  }
0x194: {  	v4 =	vld [tilespmem:s16+$0x60]  }
0x195: {  	v51 =	vld [tilespmem:s25+$0x60];
	[tilespmem:s26+$0xFFFFFFD0] =	vst v3  }
0x196: {  	v3 =	vld [tilespmem:s16+$0xFFFFFFD0]  }
0x197: {  	v52 =	vld [tilespmem:s25+$0xFFFFFFD0];
	_ =	sdelay $0x2  }
0x198: {  	v4 =	vadd.f32 v51, v4;
	_ =	sdelay $0x1  }
0x199: {  	v53 =	vld [tilespmem:s12+$0xFFFFFFE0];
	[tilespmem:s26+$0x60] =	vst v4;
	v3 =	vadd.f32 v52, v3  }
0x19a: {  	v4 =	vld [tilespmem:s16+$0x70]  }
0x19b: {  	v54 =	vld [tilespmem:s25+$0x70];
	[tilespmem:s26+$0xFFFFFFE0] =	vst v3  }
0x19c: {  	v1 =	vadd.f32 v2, v1;
	v55 =	vld [tilespmem:s16+$0xFFFFFFE0]  }
0x19d: {  	v3 =	vld [tilespmem:s25+$0xFFFFFFE0]  }
0x19e: {  	[tilespmem:s13+$0x70] =	vst v1;
	v0 =	vadd.f32 v53, v0  }
0x19f: {  	v1 =	vld [tilespmem:s11+$0x80]  }
0x1a0: {  	v56 =	vld [tilespmem:s12+$0x80];
	[tilespmem:s13+$0xFFFFFFF0] =	vst v0;
	v57 =	vadd.f32 v54, v4  }
0x1a1: {  	v58 =	vld [tilespmem:s11+$0xFFFFFFF0]  }
0x1a2: {  	v59 =	vld [tilespmem:s12+$0xFFFFFFF0];
	[tilespmem:s26+$0x70] =	vst v57;
	v60 =	vadd.f32 v3, v55  }
0x1a3: {  	v61 =	vld [tilespmem:s16+$0x80]  }
0x1a4: {  	v62 =	vld [tilespmem:s25+$0x80];
	[tilespmem:s26+$0xFFFFFFF0] =	vst v60  }
0x1a5: {  	v0 =	vld [tilespmem:s16+$0xFFFFFFF0]  }
0x1a6: {  	v7 =	vld [tilespmem:s25+$0xFFFFFFF0];
	_ =	sdelay $0x1  }
0x1a7: {  	v1 =	vadd.f32 v56, v1  }
0x1a8: {  	s1 =	sadd.s32 $0x20, s21;
	v4 =	vadd.f32 v59, v58  }
0x1a9: {  	s10 =	sadd.s32 s6, s10;
	s17 =	sadd.s32 $0x1, s17;
	[tilespmem:s1+$0x0] =	vst v1;
	v63 =	vadd.f32 v62, v61  }
0x1aa: {  	p0 =	sne.s32 s17, $0x4F;
	[tilespmem:s1+$0xFFFFFFF0] =	vst v4;
	s1 =	sadd.s32 $0x20, s1;
	s26 =	sshll.u32 s10, $0x4;
	v0 =	vadd.f32 v7, v0  }
.Ltmp2:
0x1ab: {  	s31 =	sshll.u32 s10, $0x1;
	s11 =	sand.u32 $0x1FFFFC00, s26;
	[tilespmem:s1+$0x0] =	vst v63;
	(pc) =	sbr.rel @p0 .LBB2_2-.Ltmp2, $4  }
0x1ac: {  	s29 =	simm.s32 $0xB100;
	s28 =	sadd.s32 s8, s11;
	[tilespmem:s1+$0xFFFFFFF0] =	vst v0;
	s1 =	sand.u32 $0x1FFFFF80, s31  }
0x1ad: {  	[hbm4b:s28+s3] =	stream.linear.scatter [tilespmem:s29], [sflag:$0x6], $0x2000, $0x38;
	[tilespmem:$0xD900] =	vst v63  }
0x1ae: {  	s1 =	sadd.s32 s9, s1  }
0x1af: {  	[hbm4b:s1+s3] =	stream.linear.scatter [tilespmem:s0], [sflag:$0x6], $0x400, $0x38;
	[tilespmem:$0xD900] =	vst v63  }
0x1b0: {  	s1 =	simm.s32 $0x5  }
0x1b1: {  	_ =	swait.ge [sflag:s1], $0x2000  }
0x1b2: {  	[sflag:s1] =	ssyncset.done $0x0  }
0x1b3: {  	[sflag:s1] =	ssyncadd.s32 $0xFFFFE000  }
0x1b4: {  	_ =	swait.ge [sflag:s1], $0x400  }
0x1b5: {  	[sflag:s1] =	ssyncset.done $0x0  }
0x1b6: {  	[sflag:s1] =	ssyncadd.s32 $0xFFFFFC00  }
0x1b7: {  	_ =	swait.ge [sflag:s20], $0x2000  }
0x1b8: {  	[sflag:s20] =	ssyncset.done $0x0  }
0x1b9: {  	[sflag:s20] =	ssyncadd.s32 $0xFFFFE000  }
0x1ba: {  	_ =	swait.ge [sflag:s20], $0x400  }
0x1bb: {  	s10 =	rddreg [dreg:$0x8]  }
0x1bc: {  	s31 =	rddreg [dreg:$0x7];
	s10 =	sadd.s32 $0x1, s10  }
0x1bd: {  	p0 =	sne.s32 s10, s31  }
.Ltmp3:
0x1be: {  	_ = 	snop;
	(pc) =	sbr.rel @p0 .LBB2_1-.Ltmp3, $3  }
0x1bf: {  	_ =	sdelay $0x1  }
0x1c0: {  	[sflag:s20] =	ssyncset.done $0x0  }
0x1c1: {  	[sflag:s20] =	ssyncadd.s32 $0xFFFFFC00  }
0x1c2: {  	_ =	sfence.sel $0x180000  }
0x1c3: {  	[bflag:$0x0] =	sbarrier.arrive $0xFFFF  }
0x1c4: {  	_ =	strace $0x90000047  }
0x1c5: {  	s0 =	stileid.u32;
	[bflag:$0x2] =	sbarrier.arrive $0xFFFF  }
0x1c6: {  	p0 =	sne.s32 s0, $0x0;
	s0 =	rddreg [dreg:$0x2]  }
0x1c7: {  	s0 =	sadd.s32 @!p0 $0x100000, s0  }
0x1c8: {  	[sflag:s0] =	ssyncadd.tile.s32 @!p0 $0x1;
	_ =	shalt  }
.Lfunc_end2:
_tile_overlayer_lowered:
.L_overlay_start_2:
0x1c9: {  	(tag) =	ssettag $0x2  }
0x1ca: {  	s0 =	rddreg [dreg:$0x0];
	s2 =	stileid.u32  }
0x1cb: {  	s1 =	rddreg [dreg:$0x1];
	p0 =	sne.s32 s2, $0x0  }
0x1cc: {  	s3 =	rddreg [dreg:$0x2];
	[bflag:$0x3] =	sbarrier.arrive $0xFFFF;
	s2 =	simm.s32 @!p0 $0x1C07  }
0x1cd: {  	[timem:s3], [sflag:s2] =	dma.local @!p0 [hbm:s0], s1  }
0x1ce: {  	s0 =	simm.s32 @!p0 $0x7  }
0x1cf: {  	_ =	swait.ge @!p0 [sflag:s0], s1  }
0x1d0: {  	s1 =	ssub.s32 @!p0 $0x0, s1;
	[sflag:s0] =	ssyncset.done @!p0 $0x0  }
0x1d1: {  	[sflag:s0] =	ssyncadd.s32 @!p0 s1  }
0x1d2: {  	[bflag:$0x3] =	sbarrier.arrive $0xFFFF  }
0x1d3: {  	_ =	shalt  }

</sc_bundles>
